<compile_context>
chip_gen: v7x
topology: tpu7x:2x2x1
jax: 0.10.2.dev20260603
libtpu: 0.0.44.dev20260713+nightly
codegen_flags: <defaults>
</compile_context>

<pallas_src>
import functools

import jax
import jax.numpy as jnp
import numpy as np
from jax import lax
from jax.experimental import pallas as pl
from jax.experimental.pallas import tpu as pltpu
from jax.experimental.pallas import tpu_sc as plsc

E = 8
D = 1024
F_MOE = 1024
F_SHARED = 2048
N_TOK = 4096
P = 2 * N_TOK
TB = 256
NB = N_TOK // TB
TMG = 256
RMAX = P + E * TMG
NBG = RMAX // TMG
COLS = 16
ROWS = P // COLS

SC_NC = 2
SC_NS = 16
NW = SC_NC * SC_NS
TPW = N_TOK // NW
CH = 64
NCH = TPW // CH


def _dot_t(a, b):
    return lax.dot_general(a, b, (((1,), (1,)), ((), ())),
                           preferred_element_type=jnp.float32)



def _router_body(x_ref, wg_ref, wts_ref, eidx_ref):
    logits = _dot_t(x_ref[...], wg_ref[...])
    iota = lax.broadcasted_iota(jnp.int32, logits.shape, 1)
    m1 = jnp.max(logits, axis=1, keepdims=True)
    a1 = jnp.min(jnp.where(logits == m1, iota, E + 1), axis=1, keepdims=True)
    l2 = jnp.where(iota == a1, -jnp.inf, logits)
    m2 = jnp.max(l2, axis=1, keepdims=True)
    a2 = jnp.min(jnp.where(l2 == m2, iota, E + 1), axis=1, keepdims=True)
    w1 = 1.0 / (1.0 + jnp.exp(m2 - m1))
    wts_ref[...] = jnp.concatenate([w1, 1.0 - w1], axis=1)
    eidx_ref[...] = jnp.concatenate([a1, a2], axis=1)


_router_call = pl.pallas_call(
    _router_body,
    grid=(1,),
    in_specs=[
        pl.BlockSpec((N_TOK, D), lambda i: (0, 0)),
        pl.BlockSpec((E, D), lambda i: (0, 0)),
    ],
    out_specs=[
        pl.BlockSpec((N_TOK, 2), lambda i: (0, 0)),
        pl.BlockSpec((N_TOK, 2), lambda i: (0, 0)),
    ],
    out_shape=[
        jax.ShapeDtypeStruct((N_TOK, 2), jnp.float32),
        jax.ShapeDtypeStruct((N_TOK, 2), jnp.int32),
    ],
)



def _shared_body(x_ref, wsgu_ref, wsdn_ref, wsg_ref, shared_ref):
    x = x_ref[...]
    sgu = _dot_t(x, wsgu_ref[...])
    sg = sgu[:, :F_SHARED]
    su = sgu[:, F_SHARED:]
    sh = sg * jax.nn.sigmoid(sg) * su
    sout = _dot_t(sh, wsdn_ref[...])
    gate = jax.nn.sigmoid(_dot_t(x, wsg_ref[...]))
    shared_ref[...] = gate * sout


def _make_shared_call(half):
    off = half * (NB // 2)
    return pl.pallas_call(
        _shared_body,
        grid=(NB // 2,),
        in_specs=[
            pl.BlockSpec((TB, D), lambda b: (b + off, 0)),
            pl.BlockSpec((2 * F_SHARED, D), lambda b: (0, 0)),
            pl.BlockSpec((D, F_SHARED), lambda b: (0, 0)),
            pl.BlockSpec((1, D), lambda b: (0, 0)),
        ],
        out_specs=pl.BlockSpec((TB, D), lambda b: (b, 0)),
        out_shape=jax.ShapeDtypeStruct((N_TOK // 2, D), jnp.float32),
    )


_shared_call_a = _make_shared_call(0)
_shared_call_b = _make_shared_call(1)



def _sort_body(e_ref, lt_ref, cp_ref, s0_ref, s1_ref,
               d0_ref, d1_ref, bexp_ref):
    e = e_ref[...]
    lt = lt_ref[...]
    cp = cp_ref[...]

    dest = jnp.zeros((ROWS, COLS), jnp.float32)
    off = jnp.zeros((1, 1), jnp.float32)
    rb = (TMG * lax.broadcasted_iota(jnp.int32, (8, NBG), 1)).astype(jnp.float32)
    nleq = jnp.zeros((8, NBG), jnp.float32)
    for k in range(E):
        ohk = (e == k).astype(jnp.float32)
        within = lax.dot_general(lt, ohk, (((1,), (0,)), ((), ())),
                                 preferred_element_type=jnp.float32)
        s = within[ROWS - 1:ROWS, :]
        excl = lax.dot_general(s, cp, (((1,), (0,)), ((), ())),
                               preferred_element_type=jnp.float32)
        incl = within + excl
        dest = dest + ohk * (off + incl - 1.0)
        nleq = nleq + (off <= rb).astype(jnp.float32)
        tot = excl[0:1, COLS - 1:COLS] + s[0:1, COLS - 1:COLS]
        off = off + jnp.ceil(tot * (1.0 / TMG)) * TMG
    d0_ref[...] = lax.dot_general(dest, s0_ref[...], (((1,), (0,)), ((), ())),
                                  precision=lax.Precision.HIGHEST,
                                  preferred_element_type=jnp.float32
                                  ).astype(jnp.int32)
    d1_ref[...] = lax.dot_general(dest, s1_ref[...], (((1,), (0,)), ((), ())),
                                  precision=lax.Precision.HIGHEST,
                                  preferred_element_type=jnp.float32
                                  ).astype(jnp.int32)
    bexp_ref[...] = (nleq - 1.0).astype(jnp.int32)


_sort_call = pl.pallas_call(
    _sort_body,
    grid=(1,),
    in_specs=[
        pl.BlockSpec((ROWS, COLS), lambda i: (0, 0)),
        pl.BlockSpec((ROWS, ROWS), lambda i: (0, 0)),
        pl.BlockSpec((COLS, COLS), lambda i: (0, 0)),
        pl.BlockSpec((COLS, COLS // 2), lambda i: (0, 0)),
        pl.BlockSpec((COLS, COLS // 2), lambda i: (0, 0)),
    ],
    out_specs=[
        pl.BlockSpec((ROWS, COLS // 2), lambda i: (0, 0)),
        pl.BlockSpec((ROWS, COLS // 2), lambda i: (0, 0)),
        pl.BlockSpec((8, NBG), lambda i: (0, 0)),
    ],
    out_shape=[
        jax.ShapeDtypeStruct((ROWS, COLS // 2), jnp.int32),
        jax.ShapeDtypeStruct((ROWS, COLS // 2), jnp.int32),
        jax.ShapeDtypeStruct((8, NBG), jnp.int32),
    ],
)

_LT = np.tril(np.ones((ROWS, ROWS), np.float32))
_CP = np.tril(np.ones((COLS, COLS), np.float32), -1).T
_S0 = (np.arange(COLS)[:, None] == 2 * np.arange(COLS // 2)[None, :]
       ).astype(np.float32)
_S1 = (np.arange(COLS)[:, None] == 2 * np.arange(COLS // 2)[None, :] + 1
       ).astype(np.float32)



@functools.cache
def _sc_calls():
    mesh = plsc.VectorSubcoreMesh(core_axis_name="c", subcore_axis_name="s",
                                  num_cores=SC_NC, num_subcores=SC_NS)

    @functools.partial(
        pl.kernel,
        out_type=jax.ShapeDtypeStruct((RMAX, D), jnp.float32),
        mesh=mesh,
        scratch_types=[
            pltpu.VMEM((CH,), jnp.int32),
            pltpu.VMEM((CH,), jnp.int32),
            pltpu.VMEM((CH, D), jnp.float32),
            pltpu.SemaphoreType.DMA,
        ],
    )
    def _sc_scatter(x_hbm, d0_hbm, d1_hbm, xs_hbm, idx0_v, idx1_v, rows_v, sem):
        wid = lax.axis_index("s") * SC_NC + lax.axis_index("c")
        for c in range(NCH):
            base = wid * TPW + c * CH
            pltpu.sync_copy(d0_hbm.at[pl.ds(base, CH)], idx0_v)
            pltpu.sync_copy(d1_hbm.at[pl.ds(base, CH)], idx1_v)
            pltpu.sync_copy(x_hbm.at[pl.ds(base, CH)], rows_v)
            pltpu.async_copy(rows_v, xs_hbm.at[idx0_v], sem).wait()
            pltpu.async_copy(rows_v, xs_hbm.at[idx1_v], sem).wait()

    @functools.partial(
        pl.kernel,
        out_type=[
            jax.ShapeDtypeStruct((N_TOK, D), jnp.float32),
            jax.ShapeDtypeStruct((N_TOK, D), jnp.float32),
        ],
        mesh=mesh,
        scratch_types=[
            pltpu.VMEM((CH,), jnp.int32),
            pltpu.VMEM((CH, D), jnp.float32),
            pltpu.SemaphoreType.DMA,
        ],
    )
    def _sc_gather(ys_hbm, d0_hbm, d1_hbm, y0_hbm, y1_hbm, idx_v, rows_v, sem):
        wid = lax.axis_index("s") * SC_NC + lax.axis_index("c")
        for c in range(NCH):
            base = wid * TPW + c * CH
            pltpu.sync_copy(d0_hbm.at[pl.ds(base, CH)], idx_v)
            pltpu.async_copy(ys_hbm.at[idx_v], rows_v, sem).wait()
            pltpu.sync_copy(rows_v, y0_hbm.at[pl.ds(base, CH)])
            pltpu.sync_copy(d1_hbm.at[pl.ds(base, CH)], idx_v)
            pltpu.async_copy(ys_hbm.at[idx_v], rows_v, sem).wait()
            pltpu.sync_copy(rows_v, y1_hbm.at[pl.ds(base, CH)])

    return _sc_scatter, _sc_gather



def _group_mlp_body(bexp_ref, xs_ref, wgu_ref, wdn_ref, ys_ref):
    x = xs_ref[...]
    gu = _dot_t(x, wgu_ref[0])
    g = gu[:, :F_MOE]
    u = gu[:, F_MOE:]
    h = g * jax.nn.sigmoid(g) * u
    ys_ref[...] = _dot_t(h, wdn_ref[0])


_group_mlp_call = pl.pallas_call(
    _group_mlp_body,
    grid_spec=pltpu.PrefetchScalarGridSpec(
        num_scalar_prefetch=1,
        grid=(NBG,),
        in_specs=[
            pl.BlockSpec((TMG, D), lambda b, s: (b, 0)),
            pl.BlockSpec((1, 2 * F_MOE, D), lambda b, s: (s[b], 0, 0)),
            pl.BlockSpec((1, D, F_MOE), lambda b, s: (s[b], 0, 0)),
        ],
        out_specs=pl.BlockSpec((TMG, D), lambda b, s: (b, 0)),
    ),
    out_shape=jax.ShapeDtypeStruct((RMAX, D), jnp.float32),
)



def _combine_body(sa_ref, sb_ref, wts_ref, y0_ref, y1_ref, out_ref):
    b = pl.program_id(0)
    w = wts_ref[...]
    sh = jnp.where(b < NB // 2, sa_ref[...], sb_ref[...])
    out_ref[...] = sh + w[:, 0:1] * y0_ref[...] + w[:, 1:2] * y1_ref[...]


_combine_call = pl.pallas_call(
    _combine_body,
    grid=(NB,),
    in_specs=[
        pl.BlockSpec((TB, D), lambda b: (jnp.minimum(b, NB // 2 - 1), 0)),
        pl.BlockSpec((TB, D), lambda b: (jnp.maximum(b - NB // 2, 0), 0)),
        pl.BlockSpec((TB, 2), lambda b: (b, 0)),
        pl.BlockSpec((TB, D), lambda b: (b, 0)),
        pl.BlockSpec((TB, D), lambda b: (b, 0)),
    ],
    out_specs=pl.BlockSpec((TB, D), lambda b: (b, 0)),
    out_shape=jax.ShapeDtypeStruct((N_TOK, D), jnp.float32),
)


@jax.jit
def kernel(hidden_states, Wg, W_gu, W_dn, Ws_gu, Ws_dn, Wsg):
    bs, nt, d = hidden_states.shape
    x = hidden_states.reshape(-1, d)

    wts, eidx = _router_call(x, Wg)

    e_rows = eidx.reshape(ROWS, COLS)
    d0x, d1x, bexp = _sort_call(e_rows, _LT, _CP, _S0, _S1)
    d0 = d0x.reshape(N_TOK)
    d1 = d1x.reshape(N_TOK)

    sc_scatter, sc_gather = _sc_calls()
    xs = sc_scatter(x, d0, d1)
    shared_a = _shared_call_a(x, Ws_gu, Ws_dn, Wsg)
    ys = _group_mlp_call(bexp[0], xs, W_gu, W_dn)
    shared_b = _shared_call_b(x, Ws_gu, Ws_dn, Wsg)
    y0, y1 = sc_gather(ys, d0, d1)

    out = _combine_call(shared_a, shared_b, wts, y0, y1)
    return out.reshape(bs, nt, d)

# --- scband reference (transcript-rebuilt; emitter-appended) ---
"""Pipeline reference for scband-we-lmmoe-sparse-mo-eblock-31576599560862 (READ-ONLY COPY).

The authoritative reference and input builder live on the scoring server;
editing this copy changes nothing except your own understanding.
"""

import jax, jax.numpy as jnp
import numpy as np

E = 8
TOP_K = 2
D = 1024
F_MOE = 1024
F_SHARED = 2048


def setup_inputs(seed: int = 0) -> dict:
    key = jax.random.key(seed)
    ks = jax.random.split(key, 8)
    hidden_states = jax.random.normal(ks[0], (2, 2048, D), dtype=jnp.float32)
    # router gate: Linear(D, E, bias=False) -> weight [E, D]
    Wg = jax.random.normal(ks[1], (E, D), dtype=jnp.float32) * (1.0 / np.sqrt(D))
    # fused experts: gate_up proj [E, 2*F_MOE, D], down proj [E, D, F_MOE]
    W_gu = jax.random.normal(ks[2], (E, 2 * F_MOE, D), dtype=jnp.float32) * (1.0 / np.sqrt(D))
    W_dn = jax.random.normal(ks[3], (E, D, F_MOE), dtype=jnp.float32) * (1.0 / np.sqrt(F_MOE))
    # shared expert MLP: gate_up [2*F_SHARED, D], down [D, F_SHARED]
    Ws_gu = jax.random.normal(ks[4], (2 * F_SHARED, D), dtype=jnp.float32) * (1.0 / np.sqrt(D))
    Ws_dn = jax.random.normal(ks[5], (D, F_SHARED), dtype=jnp.float32) * (1.0 / np.sqrt(F_SHARED))
    # shared expert gate: Linear(D, 1, bias=False) -> weight [1, D]
    Wsg = jax.random.normal(ks[6], (1, D), dtype=jnp.float32) * (1.0 / np.sqrt(D))
    return {"hidden_states": hidden_states, "Wg": Wg, "W_gu": W_gu, "W_dn": W_dn,
            "Ws_gu": Ws_gu, "Ws_dn": Ws_dn, "Wsg": Wsg}


def _silu(x):
    return x * jax.nn.sigmoid(x)


def _moe_forward(hidden_states, Wg, W_gu, W_dn, Ws_gu, Ws_dn, Wsg):
    bs, num_tokens, hidden_dim = hidden_states.shape
    x = hidden_states.reshape(-1, hidden_dim)  # [N, D]

    # shared expert (WeLMMoeMLP with SiluAndMul)
    gu = x @ Ws_gu.T  # [N, 2*F_SHARED]
    g, u = jnp.split(gu, 2, axis=-1)
    shared_output = (_silu(g) * u) @ Ws_dn.T  # [N, D]
    # shared expert gate
    shared_output = jax.nn.sigmoid(x @ Wsg.T) * shared_output  # [N, D]

    # router
    router_logits = x @ Wg.T  # [N, E]
    probs = jax.nn.softmax(router_logits, axis=-1)
    topk_vals, topk_idx = jax.lax.top_k(probs, TOP_K)  # [N, K]
    # renormalize (norm_topk_prob=True)
    topk_vals = topk_vals / jnp.sum(topk_vals, axis=-1, keepdims=True)
    # combine weights as dense [N, E]
    combine = jnp.sum(jax.nn.one_hot(topk_idx, E, dtype=x.dtype) * topk_vals[..., None], axis=1)  # [N, E]

    # experts (dense-equivalent of FusedMoE: weight is 0 for unrouted experts)
    gu_all = jnp.einsum('nd,efd->nef', x, W_gu)  # [N, E, 2*F_MOE]
    g_e, u_e = jnp.split(gu_all, 2, axis=-1)
    h = _silu(g_e) * u_e  # [N, E, F_MOE]
    out_e = jnp.einsum('nef,edf->ned', h, W_dn)  # [N, E, D]
    final = jnp.sum(combine[..., None] * out_e, axis=1)  # [N, D]

    final = final + shared_output
    return final.reshape(bs, num_tokens, hidden_dim)


def reference(hidden_states, Wg, W_gu, W_dn, Ws_gu, Ws_dn, Wsg):
    return _moe_forward(hidden_states, Wg, W_gu, W_dn, Ws_gu, Ws_dn, Wsg)

if __name__ == "__main__":
    import jax
    _d = setup_inputs()
    print(jax.jit(kernel)(*tuple(_d.values())))

</pallas_src>

<mosaic_0001>
#map = affine_map<(d0, d1) -> (0, 0)>
#map1 = affine_map<(d0, d1) -> (0)>
module attributes {stable_mosaic.version = 14 : i64} {
  func.func @_sc_scatter(%arg0: i32, %arg1: i32, %arg2: memref<4096x1024xf32, #tpu.memory_space<hbm>>, %arg3: memref<4096xi32, #tpu.memory_space<hbm>>, %arg4: memref<4096xi32, #tpu.memory_space<hbm>>, %arg5: memref<10240x1024xf32, #tpu.memory_space<hbm>>, %arg6: memref<64xi32, #tpu.memory_space<vmem>>, %arg7: memref<64xi32, #tpu.memory_space<vmem>>, %arg8: memref<64x1024xf32, #tpu.memory_space<vmem>>, %arg9: memref<!tpu.dma_semaphore, #tpu.memory_space<semaphore_mem>>) attributes {dimension_semantics = [#tpu.dimension_semantics<core_parallel>, #tpu.dimension_semantics<subcore_parallel>], iteration_bounds = array<i64: 2, 16>, scalar_prefetch = 0 : i64, scratch_operands = 4 : i64, tpu.core_type = #tpu.core_type<sc_vector_subcore>, window_params = [{transform_indices = #map}, {transform_indices = #map1}, {transform_indices = #map1}, {transform_indices = #map}]} {
    %mul3A = arith.constant 2 : i32
    %mul3A_0 = arith.muli %arg1, %mul3A : i32
    %add3A = arith.addi %mul3A_0, %arg0 : i32
    %mul3A_1 = arith.constant 128 : i32
    %mul3A_2 = arith.muli %add3A, %mul3A_1 : i32
    %add3A_3 = arith.constant 0 : i32
    %add3A_4 = arith.addi %mul3A_2, %add3A_3 : i32
    "tpu.region"() ({
      %run_scoped3A = tpu.sem_alloc : memref<!tpu.dma_semaphore, #tpu.memory_space<semaphore_mem>>
      %dma_start3A_31 = tpu.memref_slice %arg3[%add3A_4] : memref<4096xi32, #tpu.memory_space<hbm>> -> memref<64xi32, #tpu.memory_space<hbm>>
      %dma_start3A_32 = tpu.memref_slice %arg3[%add3A_4] : memref<4096xi32, #tpu.memory_space<hbm>> -> memref<64xi32, #tpu.memory_space<hbm>>
      tpu.enqueue_dma source(%dma_start3A_32 : memref<64xi32, #tpu.memory_space<hbm>>) target(%arg6 : memref<64xi32, #tpu.memory_space<vmem>>) target_semaphore(%run_scoped3A : memref<!tpu.dma_semaphore, #tpu.memory_space<semaphore_mem>>)
      %dma_wait3A_33 = tpu.memref_slice %arg3[%add3A_4] : memref<4096xi32, #tpu.memory_space<hbm>> -> memref<64xi32, #tpu.memory_space<hbm>>
      %dma_wait3A_34 = tpu.memref_slice %arg3[%add3A_4] : memref<4096xi32, #tpu.memory_space<hbm>> -> memref<64xi32, #tpu.memory_space<hbm>>
      tpu.wait_dma2 semaphore(%run_scoped3A : memref<!tpu.dma_semaphore, #tpu.memory_space<semaphore_mem>>) src(%dma_wait3A_34 : memref<64xi32, #tpu.memory_space<hbm>>) dst(%arg6 : memref<64xi32, #tpu.memory_space<vmem>>)
      tpu.yield
    }) : () -> ()
    "tpu.region"() ({
      %run_scoped3A = tpu.sem_alloc : memref<!tpu.dma_semaphore, #tpu.memory_space<semaphore_mem>>
      %dma_start3A_31 = tpu.memref_slice %arg4[%add3A_4] : memref<4096xi32, #tpu.memory_space<hbm>> -> memref<64xi32, #tpu.memory_space<hbm>>
      %dma_start3A_32 = tpu.memref_slice %arg4[%add3A_4] : memref<4096xi32, #tpu.memory_space<hbm>> -> memref<64xi32, #tpu.memory_space<hbm>>
      tpu.enqueue_dma source(%dma_start3A_32 : memref<64xi32, #tpu.memory_space<hbm>>) target(%arg7 : memref<64xi32, #tpu.memory_space<vmem>>) target_semaphore(%run_scoped3A : memref<!tpu.dma_semaphore, #tpu.memory_space<semaphore_mem>>)
      %dma_wait3A_33 = tpu.memref_slice %arg4[%add3A_4] : memref<4096xi32, #tpu.memory_space<hbm>> -> memref<64xi32, #tpu.memory_space<hbm>>
      %dma_wait3A_34 = tpu.memref_slice %arg4[%add3A_4] : memref<4096xi32, #tpu.memory_space<hbm>> -> memref<64xi32, #tpu.memory_space<hbm>>
      tpu.wait_dma2 semaphore(%run_scoped3A : memref<!tpu.dma_semaphore, #tpu.memory_space<semaphore_mem>>) src(%dma_wait3A_34 : memref<64xi32, #tpu.memory_space<hbm>>) dst(%arg7 : memref<64xi32, #tpu.memory_space<vmem>>)
      tpu.yield
    }) : () -> ()
    "tpu.region"() ({
      %run_scoped3A = tpu.sem_alloc : memref<!tpu.dma_semaphore, #tpu.memory_space<semaphore_mem>>
      %dma_start3A_31 = arith.constant 0 : i32
      %dma_start3A_32 = tpu.memref_slice %arg2[%add3A_4, %dma_start3A_31] : memref<4096x1024xf32, #tpu.memory_space<hbm>> -> memref<64x1024xf32, #tpu.memory_space<hbm>>
      %dma_start3A_33 = arith.constant 0 : i32
      %dma_start3A_34 = tpu.memref_slice %arg2[%add3A_4, %dma_start3A_33] : memref<4096x1024xf32, #tpu.memory_space<hbm>> -> memref<64x1024xf32, #tpu.memory_space<hbm>>
      tpu.enqueue_dma source(%dma_start3A_34 : memref<64x1024xf32, #tpu.memory_space<hbm>>) target(%arg8 : memref<64x1024xf32, #tpu.memory_space<vmem>>) target_semaphore(%run_scoped3A : memref<!tpu.dma_semaphore, #tpu.memory_space<semaphore_mem>>)
      %dma_wait3A_35 = arith.constant 0 : i32
      %dma_wait3A_36 = tpu.memref_slice %arg2[%add3A_4, %dma_wait3A_35] : memref<4096x1024xf32, #tpu.memory_space<hbm>> -> memref<64x1024xf32, #tpu.memory_space<hbm>>
      %dma_wait3A_37 = arith.constant 0 : i32
      %dma_wait3A_38 = tpu.memref_slice %arg2[%add3A_4, %dma_wait3A_37] : memref<4096x1024xf32, #tpu.memory_space<hbm>> -> memref<64x1024xf32, #tpu.memory_space<hbm>>
      tpu.wait_dma2 semaphore(%run_scoped3A : memref<!tpu.dma_semaphore, #tpu.memory_space<semaphore_mem>>) src(%dma_wait3A_38 : memref<64x1024xf32, #tpu.memory_space<hbm>>) dst(%arg8 : memref<64x1024xf32, #tpu.memory_space<vmem>>)
      tpu.yield
    }) : () -> ()
    %dma_start3A = arith.constant 0 : i32
    %dma_start3A_5 = arith.constant 0 : i32
    %dma_start3A_6 = tpu.memref_slice %arg5[%dma_start3A, %dma_start3A_5] : memref<10240x1024xf32, #tpu.memory_space<hbm>> -> memref<10240x1024xf32, #tpu.memory_space<hbm>>
    tpu.enqueue_indirect_dma source(%arg8 : memref<64x1024xf32, #tpu.memory_space<vmem>>) target(%dma_start3A_6 : memref<10240x1024xf32, #tpu.memory_space<hbm>>) offsets(%arg6 : memref<64xi32, #tpu.memory_space<vmem>>) semaphore(%arg9 : memref<!tpu.dma_semaphore, #tpu.memory_space<semaphore_mem>>)
    %dma_wait3A = arith.constant 0 : i32
    %dma_wait3A_7 = arith.constant 0 : i32
    %dma_wait3A_8 = tpu.memref_slice %arg5[%dma_wait3A, %dma_wait3A_7] : memref<10240x1024xf32, #tpu.memory_space<hbm>> -> memref<10240x1024xf32, #tpu.memory_space<hbm>>
    tpu.wait_indirect_dma semaphore(%arg9 : memref<!tpu.dma_semaphore, #tpu.memory_space<semaphore_mem>>) src(%arg8 : memref<64x1024xf32, #tpu.memory_space<vmem>>) dst(%dma_wait3A_8 : memref<10240x1024xf32, #tpu.memory_space<hbm>>)
    %dma_start3A_9 = arith.constant 0 : i32
    %dma_start3A_10 = arith.constant 0 : i32
    %dma_start3A_11 = tpu.memref_slice %arg5[%dma_start3A_9, %dma_start3A_10] : memref<10240x1024xf32, #tpu.memory_space<hbm>> -> memref<10240x1024xf32, #tpu.memory_space<hbm>>
    tpu.enqueue_indirect_dma source(%arg8 : memref<64x1024xf32, #tpu.memory_space<vmem>>) target(%dma_start3A_11 : memref<10240x1024xf32, #tpu.memory_space<hbm>>) offsets(%arg7 : memref<64xi32, #tpu.memory_space<vmem>>) semaphore(%arg9 : memref<!tpu.dma_semaphore, #tpu.memory_space<semaphore_mem>>)
    %dma_wait3A_12 = arith.constant 0 : i32
    %dma_wait3A_13 = arith.constant 0 : i32
    %dma_wait3A_14 = tpu.memref_slice %arg5[%dma_wait3A_12, %dma_wait3A_13] : memref<10240x1024xf32, #tpu.memory_space<hbm>> -> memref<10240x1024xf32, #tpu.memory_space<hbm>>
    tpu.wait_indirect_dma semaphore(%arg9 : memref<!tpu.dma_semaphore, #tpu.memory_space<semaphore_mem>>) src(%arg8 : memref<64x1024xf32, #tpu.memory_space<vmem>>) dst(%dma_wait3A_14 : memref<10240x1024xf32, #tpu.memory_space<hbm>>)
    %mul3A_15 = arith.constant 128 : i32
    %mul3A_16 = arith.muli %add3A, %mul3A_15 : i32
    %add3A_17 = arith.constant 64 : i32
    %add3A_18 = arith.addi %mul3A_16, %add3A_17 : i32
    "tpu.region"() ({
      %run_scoped3A = tpu.sem_alloc : memref<!tpu.dma_semaphore, #tpu.memory_space<semaphore_mem>>
      %dma_start3A_31 = tpu.memref_slice %arg3[%add3A_18] : memref<4096xi32, #tpu.memory_space<hbm>> -> memref<64xi32, #tpu.memory_space<hbm>>
      %dma_start3A_32 = tpu.memref_slice %arg3[%add3A_18] : memref<4096xi32, #tpu.memory_space<hbm>> -> memref<64xi32, #tpu.memory_space<hbm>>
      tpu.enqueue_dma source(%dma_start3A_32 : memref<64xi32, #tpu.memory_space<hbm>>) target(%arg6 : memref<64xi32, #tpu.memory_space<vmem>>) target_semaphore(%run_scoped3A : memref<!tpu.dma_semaphore, #tpu.memory_space<semaphore_mem>>)
      %dma_wait3A_33 = tpu.memref_slice %arg3[%add3A_18] : memref<4096xi32, #tpu.memory_space<hbm>> -> memref<64xi32, #tpu.memory_space<hbm>>
      %dma_wait3A_34 = tpu.memref_slice %arg3[%add3A_18] : memref<4096xi32, #tpu.memory_space<hbm>> -> memref<64xi32, #tpu.memory_space<hbm>>
      tpu.wait_dma2 semaphore(%run_scoped3A : memref<!tpu.dma_semaphore, #tpu.memory_space<semaphore_mem>>) src(%dma_wait3A_34 : memref<64xi32, #tpu.memory_space<hbm>>) dst(%arg6 : memref<64xi32, #tpu.memory_space<vmem>>)
      tpu.yield
    }) : () -> ()
    "tpu.region"() ({
      %run_scoped3A = tpu.sem_alloc : memref<!tpu.dma_semaphore, #tpu.memory_space<semaphore_mem>>
      %dma_start3A_31 = tpu.memref_slice %arg4[%add3A_18] : memref<4096xi32, #tpu.memory_space<hbm>> -> memref<64xi32, #tpu.memory_space<hbm>>
      %dma_start3A_32 = tpu.memref_slice %arg4[%add3A_18] : memref<4096xi32, #tpu.memory_space<hbm>> -> memref<64xi32, #tpu.memory_space<hbm>>
      tpu.enqueue_dma source(%dma_start3A_32 : memref<64xi32, #tpu.memory_space<hbm>>) target(%arg7 : memref<64xi32, #tpu.memory_space<vmem>>) target_semaphore(%run_scoped3A : memref<!tpu.dma_semaphore, #tpu.memory_space<semaphore_mem>>)
      %dma_wait3A_33 = tpu.memref_slice %arg4[%add3A_18] : memref<4096xi32, #tpu.memory_space<hbm>> -> memref<64xi32, #tpu.memory_space<hbm>>
      %dma_wait3A_34 = tpu.memref_slice %arg4[%add3A_18] : memref<4096xi32, #tpu.memory_space<hbm>> -> memref<64xi32, #tpu.memory_space<hbm>>
      tpu.wait_dma2 semaphore(%run_scoped3A : memref<!tpu.dma_semaphore, #tpu.memory_space<semaphore_mem>>) src(%dma_wait3A_34 : memref<64xi32, #tpu.memory_space<hbm>>) dst(%arg7 : memref<64xi32, #tpu.memory_space<vmem>>)
      tpu.yield
    }) : () -> ()
    "tpu.region"() ({
      %run_scoped3A = tpu.sem_alloc : memref<!tpu.dma_semaphore, #tpu.memory_space<semaphore_mem>>
      %dma_start3A_31 = arith.constant 0 : i32
      %dma_start3A_32 = tpu.memref_slice %arg2[%add3A_18, %dma_start3A_31] : memref<4096x1024xf32, #tpu.memory_space<hbm>> -> memref<64x1024xf32, #tpu.memory_space<hbm>>
      %dma_start3A_33 = arith.constant 0 : i32
      %dma_start3A_34 = tpu.memref_slice %arg2[%add3A_18, %dma_start3A_33] : memref<4096x1024xf32, #tpu.memory_space<hbm>> -> memref<64x1024xf32, #tpu.memory_space<hbm>>
      tpu.enqueue_dma source(%dma_start3A_34 : memref<64x1024xf32, #tpu.memory_space<hbm>>) target(%arg8 : memref<64x1024xf32, #tpu.memory_space<vmem>>) target_semaphore(%run_scoped3A : memref<!tpu.dma_semaphore, #tpu.memory_space<semaphore_mem>>)
      %dma_wait3A_35 = arith.constant 0 : i32
      %dma_wait3A_36 = tpu.memref_slice %arg2[%add3A_18, %dma_wait3A_35] : memref<4096x1024xf32, #tpu.memory_space<hbm>> -> memref<64x1024xf32, #tpu.memory_space<hbm>>
      %dma_wait3A_37 = arith.constant 0 : i32
      %dma_wait3A_38 = tpu.memref_slice %arg2[%add3A_18, %dma_wait3A_37] : memref<4096x1024xf32, #tpu.memory_space<hbm>> -> memref<64x1024xf32, #tpu.memory_space<hbm>>
      tpu.wait_dma2 semaphore(%run_scoped3A : memref<!tpu.dma_semaphore, #tpu.memory_space<semaphore_mem>>) src(%dma_wait3A_38 : memref<64x1024xf32, #tpu.memory_space<hbm>>) dst(%arg8 : memref<64x1024xf32, #tpu.memory_space<vmem>>)
      tpu.yield
    }) : () -> ()
    %dma_start3A_19 = arith.constant 0 : i32
    %dma_start3A_20 = arith.constant 0 : i32
    %dma_start3A_21 = tpu.memref_slice %arg5[%dma_start3A_19, %dma_start3A_20] : memref<10240x1024xf32, #tpu.memory_space<hbm>> -> memref<10240x1024xf32, #tpu.memory_space<hbm>>
    tpu.enqueue_indirect_dma source(%arg8 : memref<64x1024xf32, #tpu.memory_space<vmem>>) target(%dma_start3A_21 : memref<10240x1024xf32, #tpu.memory_space<hbm>>) offsets(%arg6 : memref<64xi32, #tpu.memory_space<vmem>>) semaphore(%arg9 : memref<!tpu.dma_semaphore, #tpu.memory_space<semaphore_mem>>)
    %dma_wait3A_22 = arith.constant 0 : i32
    %dma_wait3A_23 = arith.constant 0 : i32
    %dma_wait3A_24 = tpu.memref_slice %arg5[%dma_wait3A_22, %dma_wait3A_23] : memref<10240x1024xf32, #tpu.memory_space<hbm>> -> memref<10240x1024xf32, #tpu.memory_space<hbm>>
    tpu.wait_indirect_dma semaphore(%arg9 : memref<!tpu.dma_semaphore, #tpu.memory_space<semaphore_mem>>) src(%arg8 : memref<64x1024xf32, #tpu.memory_space<vmem>>) dst(%dma_wait3A_24 : memref<10240x1024xf32, #tpu.memory_space<hbm>>)
    %dma_start3A_25 = arith.constant 0 : i32
    %dma_start3A_26 = arith.constant 0 : i32
    %dma_start3A_27 = tpu.memref_slice %arg5[%dma_start3A_25, %dma_start3A_26] : memref<10240x1024xf32, #tpu.memory_space<hbm>> -> memref<10240x1024xf32, #tpu.memory_space<hbm>>
    tpu.enqueue_indirect_dma source(%arg8 : memref<64x1024xf32, #tpu.memory_space<vmem>>) target(%dma_start3A_27 : memref<10240x1024xf32, #tpu.memory_space<hbm>>) offsets(%arg7 : memref<64xi32, #tpu.memory_space<vmem>>) semaphore(%arg9 : memref<!tpu.dma_semaphore, #tpu.memory_space<semaphore_mem>>)
    %dma_wait3A_28 = arith.constant 0 : i32
    %dma_wait3A_29 = arith.constant 0 : i32
    %dma_wait3A_30 = tpu.memref_slice %arg5[%dma_wait3A_28, %dma_wait3A_29] : memref<10240x1024xf32, #tpu.memory_space<hbm>> -> memref<10240x1024xf32, #tpu.memory_space<hbm>>
    tpu.wait_indirect_dma semaphore(%arg9 : memref<!tpu.dma_semaphore, #tpu.memory_space<semaphore_mem>>) src(%arg8 : memref<64x1024xf32, #tpu.memory_space<vmem>>) dst(%dma_wait3A_30 : memref<10240x1024xf32, #tpu.memory_space<hbm>>)
    return
  }
}

#map = affine_map<(d0, d1) -> (0, 0)>
#map1 = affine_map<(d0, d1) -> (0)>
module attributes {stable_mosaic.version = 14 : i64} {
  func.func @_sc_gather(%arg0: i32, %arg1: i32, %arg2: memref<10240x1024xf32, #tpu.memory_space<hbm>>, %arg3: memref<4096xi32, #tpu.memory_space<hbm>>, %arg4: memref<4096xi32, #tpu.memory_space<hbm>>, %arg5: memref<4096x1024xf32, #tpu.memory_space<hbm>>, %arg6: memref<4096x1024xf32, #tpu.memory_space<hbm>>, %arg7: memref<64xi32, #tpu.memory_space<vmem>>, %arg8: memref<64x1024xf32, #tpu.memory_space<vmem>>, %arg9: memref<!tpu.dma_semaphore, #tpu.memory_space<semaphore_mem>>) attributes {dimension_semantics = [#tpu.dimension_semantics<core_parallel>, #tpu.dimension_semantics<subcore_parallel>], iteration_bounds = array<i64: 2, 16>, scalar_prefetch = 0 : i64, scratch_operands = 3 : i64, tpu.core_type = #tpu.core_type<sc_vector_subcore>, window_params = [{transform_indices = #map}, {transform_indices = #map1}, {transform_indices = #map1}, {transform_indices = #map}, {transform_indices = #map}]} {
    %mul3A = arith.constant 2 : i32
    %mul3A_0 = arith.muli %arg1, %mul3A : i32
    %add3A = arith.addi %mul3A_0, %arg0 : i32
    %mul3A_1 = arith.constant 128 : i32
    %mul3A_2 = arith.muli %add3A, %mul3A_1 : i32
    %add3A_3 = arith.constant 0 : i32
    %add3A_4 = arith.addi %mul3A_2, %add3A_3 : i32
    "tpu.region"() ({
      %run_scoped3A = tpu.sem_alloc : memref<!tpu.dma_semaphore, #tpu.memory_space<semaphore_mem>>
      %dma_start3A_31 = tpu.memref_slice %arg3[%add3A_4] : memref<4096xi32, #tpu.memory_space<hbm>> -> memref<64xi32, #tpu.memory_space<hbm>>
      %dma_start3A_32 = tpu.memref_slice %arg3[%add3A_4] : memref<4096xi32, #tpu.memory_space<hbm>> -> memref<64xi32, #tpu.memory_space<hbm>>
      tpu.enqueue_dma source(%dma_start3A_32 : memref<64xi32, #tpu.memory_space<hbm>>) target(%arg7 : memref<64xi32, #tpu.memory_space<vmem>>) target_semaphore(%run_scoped3A : memref<!tpu.dma_semaphore, #tpu.memory_space<semaphore_mem>>)
      %dma_wait3A_33 = tpu.memref_slice %arg3[%add3A_4] : memref<4096xi32, #tpu.memory_space<hbm>> -> memref<64xi32, #tpu.memory_space<hbm>>
      %dma_wait3A_34 = tpu.memref_slice %arg3[%add3A_4] : memref<4096xi32, #tpu.memory_space<hbm>> -> memref<64xi32, #tpu.memory_space<hbm>>
      tpu.wait_dma2 semaphore(%run_scoped3A : memref<!tpu.dma_semaphore, #tpu.memory_space<semaphore_mem>>) src(%dma_wait3A_34 : memref<64xi32, #tpu.memory_space<hbm>>) dst(%arg7 : memref<64xi32, #tpu.memory_space<vmem>>)
      tpu.yield
    }) : () -> ()
    %dma_start3A = arith.constant 0 : i32
    %dma_start3A_5 = arith.constant 0 : i32
    %dma_start3A_6 = tpu.memref_slice %arg2[%dma_start3A, %dma_start3A_5] : memref<10240x1024xf32, #tpu.memory_space<hbm>> -> memref<10240x1024xf32, #tpu.memory_space<hbm>>
    tpu.enqueue_indirect_dma source(%dma_start3A_6 : memref<10240x1024xf32, #tpu.memory_space<hbm>>) target(%arg8 : memref<64x1024xf32, #tpu.memory_space<vmem>>) offsets(%arg7 : memref<64xi32, #tpu.memory_space<vmem>>) semaphore(%arg9 : memref<!tpu.dma_semaphore, #tpu.memory_space<semaphore_mem>>)
    %dma_wait3A = arith.constant 0 : i32
    %dma_wait3A_7 = arith.constant 0 : i32
    %dma_wait3A_8 = tpu.memref_slice %arg2[%dma_wait3A, %dma_wait3A_7] : memref<10240x1024xf32, #tpu.memory_space<hbm>> -> memref<10240x1024xf32, #tpu.memory_space<hbm>>
    tpu.wait_indirect_dma semaphore(%arg9 : memref<!tpu.dma_semaphore, #tpu.memory_space<semaphore_mem>>) src(%dma_wait3A_8 : memref<10240x1024xf32, #tpu.memory_space<hbm>>) dst(%arg8 : memref<64x1024xf32, #tpu.memory_space<vmem>>)
    "tpu.region"() ({
      %run_scoped3A = tpu.sem_alloc : memref<!tpu.dma_semaphore, #tpu.memory_space<semaphore_mem>>
      %dma_start3A_31 = arith.constant 0 : i32
      %dma_start3A_32 = tpu.memref_slice %arg5[%add3A_4, %dma_start3A_31] : memref<4096x1024xf32, #tpu.memory_space<hbm>> -> memref<64x1024xf32, #tpu.memory_space<hbm>>
      %dma_start3A_33 = arith.constant 0 : i32
      %dma_start3A_34 = tpu.memref_slice %arg5[%add3A_4, %dma_start3A_33] : memref<4096x1024xf32, #tpu.memory_space<hbm>> -> memref<64x1024xf32, #tpu.memory_space<hbm>>
      tpu.enqueue_dma source(%arg8 : memref<64x1024xf32, #tpu.memory_space<vmem>>) target(%dma_start3A_34 : memref<64x1024xf32, #tpu.memory_space<hbm>>) target_semaphore(%run_scoped3A : memref<!tpu.dma_semaphore, #tpu.memory_space<semaphore_mem>>)
      %dma_wait3A_35 = arith.constant 0 : i32
      %dma_wait3A_36 = tpu.memref_slice %arg5[%add3A_4, %dma_wait3A_35] : memref<4096x1024xf32, #tpu.memory_space<hbm>> -> memref<64x1024xf32, #tpu.memory_space<hbm>>
      %dma_wait3A_37 = arith.constant 0 : i32
      %dma_wait3A_38 = tpu.memref_slice %arg5[%add3A_4, %dma_wait3A_37] : memref<4096x1024xf32, #tpu.memory_space<hbm>> -> memref<64x1024xf32, #tpu.memory_space<hbm>>
      tpu.wait_dma2 semaphore(%run_scoped3A : memref<!tpu.dma_semaphore, #tpu.memory_space<semaphore_mem>>) src(%arg8 : memref<64x1024xf32, #tpu.memory_space<vmem>>) dst(%dma_wait3A_38 : memref<64x1024xf32, #tpu.memory_space<hbm>>)
      tpu.yield
    }) : () -> ()
    "tpu.region"() ({
      %run_scoped3A = tpu.sem_alloc : memref<!tpu.dma_semaphore, #tpu.memory_space<semaphore_mem>>
      %dma_start3A_31 = tpu.memref_slice %arg4[%add3A_4] : memref<4096xi32, #tpu.memory_space<hbm>> -> memref<64xi32, #tpu.memory_space<hbm>>
      %dma_start3A_32 = tpu.memref_slice %arg4[%add3A_4] : memref<4096xi32, #tpu.memory_space<hbm>> -> memref<64xi32, #tpu.memory_space<hbm>>
      tpu.enqueue_dma source(%dma_start3A_32 : memref<64xi32, #tpu.memory_space<hbm>>) target(%arg7 : memref<64xi32, #tpu.memory_space<vmem>>) target_semaphore(%run_scoped3A : memref<!tpu.dma_semaphore, #tpu.memory_space<semaphore_mem>>)
      %dma_wait3A_33 = tpu.memref_slice %arg4[%add3A_4] : memref<4096xi32, #tpu.memory_space<hbm>> -> memref<64xi32, #tpu.memory_space<hbm>>
      %dma_wait3A_34 = tpu.memref_slice %arg4[%add3A_4] : memref<4096xi32, #tpu.memory_space<hbm>> -> memref<64xi32, #tpu.memory_space<hbm>>
      tpu.wait_dma2 semaphore(%run_scoped3A : memref<!tpu.dma_semaphore, #tpu.memory_space<semaphore_mem>>) src(%dma_wait3A_34 : memref<64xi32, #tpu.memory_space<hbm>>) dst(%arg7 : memref<64xi32, #tpu.memory_space<vmem>>)
      tpu.yield
    }) : () -> ()
    %dma_start3A_9 = arith.constant 0 : i32
    %dma_start3A_10 = arith.constant 0 : i32
    %dma_start3A_11 = tpu.memref_slice %arg2[%dma_start3A_9, %dma_start3A_10] : memref<10240x1024xf32, #tpu.memory_space<hbm>> -> memref<10240x1024xf32, #tpu.memory_space<hbm>>
    tpu.enqueue_indirect_dma source(%dma_start3A_11 : memref<10240x1024xf32, #tpu.memory_space<hbm>>) target(%arg8 : memref<64x1024xf32, #tpu.memory_space<vmem>>) offsets(%arg7 : memref<64xi32, #tpu.memory_space<vmem>>) semaphore(%arg9 : memref<!tpu.dma_semaphore, #tpu.memory_space<semaphore_mem>>)
    %dma_wait3A_12 = arith.constant 0 : i32
    %dma_wait3A_13 = arith.constant 0 : i32
    %dma_wait3A_14 = tpu.memref_slice %arg2[%dma_wait3A_12, %dma_wait3A_13] : memref<10240x1024xf32, #tpu.memory_space<hbm>> -> memref<10240x1024xf32, #tpu.memory_space<hbm>>
    tpu.wait_indirect_dma semaphore(%arg9 : memref<!tpu.dma_semaphore, #tpu.memory_space<semaphore_mem>>) src(%dma_wait3A_14 : memref<10240x1024xf32, #tpu.memory_space<hbm>>) dst(%arg8 : memref<64x1024xf32, #tpu.memory_space<vmem>>)
    "tpu.region"() ({
      %run_scoped3A = tpu.sem_alloc : memref<!tpu.dma_semaphore, #tpu.memory_space<semaphore_mem>>
      %dma_start3A_31 = arith.constant 0 : i32
      %dma_start3A_32 = tpu.memref_slice %arg6[%add3A_4, %dma_start3A_31] : memref<4096x1024xf32, #tpu.memory_space<hbm>> -> memref<64x1024xf32, #tpu.memory_space<hbm>>
      %dma_start3A_33 = arith.constant 0 : i32
      %dma_start3A_34 = tpu.memref_slice %arg6[%add3A_4, %dma_start3A_33] : memref<4096x1024xf32, #tpu.memory_space<hbm>> -> memref<64x1024xf32, #tpu.memory_space<hbm>>
      tpu.enqueue_dma source(%arg8 : memref<64x1024xf32, #tpu.memory_space<vmem>>) target(%dma_start3A_34 : memref<64x1024xf32, #tpu.memory_space<hbm>>) target_semaphore(%run_scoped3A : memref<!tpu.dma_semaphore, #tpu.memory_space<semaphore_mem>>)
      %dma_wait3A_35 = arith.constant 0 : i32
      %dma_wait3A_36 = tpu.memref_slice %arg6[%add3A_4, %dma_wait3A_35] : memref<4096x1024xf32, #tpu.memory_space<hbm>> -> memref<64x1024xf32, #tpu.memory_space<hbm>>
      %dma_wait3A_37 = arith.constant 0 : i32
      %dma_wait3A_38 = tpu.memref_slice %arg6[%add3A_4, %dma_wait3A_37] : memref<4096x1024xf32, #tpu.memory_space<hbm>> -> memref<64x1024xf32, #tpu.memory_space<hbm>>
      tpu.wait_dma2 semaphore(%run_scoped3A : memref<!tpu.dma_semaphore, #tpu.memory_space<semaphore_mem>>) src(%arg8 : memref<64x1024xf32, #tpu.memory_space<vmem>>) dst(%dma_wait3A_38 : memref<64x1024xf32, #tpu.memory_space<hbm>>)
      tpu.yield
    }) : () -> ()
    %mul3A_15 = arith.constant 128 : i32
    %mul3A_16 = arith.muli %add3A, %mul3A_15 : i32
    %add3A_17 = arith.constant 64 : i32
    %add3A_18 = arith.addi %mul3A_16, %add3A_17 : i32
    "tpu.region"() ({
      %run_scoped3A = tpu.sem_alloc : memref<!tpu.dma_semaphore, #tpu.memory_space<semaphore_mem>>
      %dma_start3A_31 = tpu.memref_slice %arg3[%add3A_18] : memref<4096xi32, #tpu.memory_space<hbm>> -> memref<64xi32, #tpu.memory_space<hbm>>
      %dma_start3A_32 = tpu.memref_slice %arg3[%add3A_18] : memref<4096xi32, #tpu.memory_space<hbm>> -> memref<64xi32, #tpu.memory_space<hbm>>
      tpu.enqueue_dma source(%dma_start3A_32 : memref<64xi32, #tpu.memory_space<hbm>>) target(%arg7 : memref<64xi32, #tpu.memory_space<vmem>>) target_semaphore(%run_scoped3A : memref<!tpu.dma_semaphore, #tpu.memory_space<semaphore_mem>>)
      %dma_wait3A_33 = tpu.memref_slice %arg3[%add3A_18] : memref<4096xi32, #tpu.memory_space<hbm>> -> memref<64xi32, #tpu.memory_space<hbm>>
      %dma_wait3A_34 = tpu.memref_slice %arg3[%add3A_18] : memref<4096xi32, #tpu.memory_space<hbm>> -> memref<64xi32, #tpu.memory_space<hbm>>
      tpu.wait_dma2 semaphore(%run_scoped3A : memref<!tpu.dma_semaphore, #tpu.memory_space<semaphore_mem>>) src(%dma_wait3A_34 : memref<64xi32, #tpu.memory_space<hbm>>) dst(%arg7 : memref<64xi32, #tpu.memory_space<vmem>>)
      tpu.yield
    }) : () -> ()
    %dma_start3A_19 = arith.constant 0 : i32
    %dma_start3A_20 = arith.constant 0 : i32
    %dma_start3A_21 = tpu.memref_slice %arg2[%dma_start3A_19, %dma_start3A_20] : memref<10240x1024xf32, #tpu.memory_space<hbm>> -> memref<10240x1024xf32, #tpu.memory_space<hbm>>
    tpu.enqueue_indirect_dma source(%dma_start3A_21 : memref<10240x1024xf32, #tpu.memory_space<hbm>>) target(%arg8 : memref<64x1024xf32, #tpu.memory_space<vmem>>) offsets(%arg7 : memref<64xi32, #tpu.memory_space<vmem>>) semaphore(%arg9 : memref<!tpu.dma_semaphore, #tpu.memory_space<semaphore_mem>>)
    %dma_wait3A_22 = arith.constant 0 : i32
    %dma_wait3A_23 = arith.constant 0 : i32
    %dma_wait3A_24 = tpu.memref_slice %arg2[%dma_wait3A_22, %dma_wait3A_23] : memref<10240x1024xf32, #tpu.memory_space<hbm>> -> memref<10240x1024xf32, #tpu.memory_space<hbm>>
    tpu.wait_indirect_dma semaphore(%arg9 : memref<!tpu.dma_semaphore, #tpu.memory_space<semaphore_mem>>) src(%dma_wait3A_24 : memref<10240x1024xf32, #tpu.memory_space<hbm>>) dst(%arg8 : memref<64x1024xf32, #tpu.memory_space<vmem>>)
    "tpu.region"() ({
      %run_scoped3A = tpu.sem_alloc : memref<!tpu.dma_semaphore, #tpu.memory_space<semaphore_mem>>
      %dma_start3A_31 = arith.constant 0 : i32
      %dma_start3A_32 = tpu.memref_slice %arg5[%add3A_18, %dma_start3A_31] : memref<4096x1024xf32, #tpu.memory_space<hbm>> -> memref<64x1024xf32, #tpu.memory_space<hbm>>
      %dma_start3A_33 = arith.constant 0 : i32
      %dma_start3A_34 = tpu.memref_slice %arg5[%add3A_18, %dma_start3A_33] : memref<4096x1024xf32, #tpu.memory_space<hbm>> -> memref<64x1024xf32, #tpu.memory_space<hbm>>
      tpu.enqueue_dma source(%arg8 : memref<64x1024xf32, #tpu.memory_space<vmem>>) target(%dma_start3A_34 : memref<64x1024xf32, #tpu.memory_space<hbm>>) target_semaphore(%run_scoped3A : memref<!tpu.dma_semaphore, #tpu.memory_space<semaphore_mem>>)
      %dma_wait3A_35 = arith.constant 0 : i32
      %dma_wait3A_36 = tpu.memref_slice %arg5[%add3A_18, %dma_wait3A_35] : memref<4096x1024xf32, #tpu.memory_space<hbm>> -> memref<64x1024xf32, #tpu.memory_space<hbm>>
      %dma_wait3A_37 = arith.constant 0 : i32
      %dma_wait3A_38 = tpu.memref_slice %arg5[%add3A_18, %dma_wait3A_37] : memref<4096x1024xf32, #tpu.memory_space<hbm>> -> memref<64x1024xf32, #tpu.memory_space<hbm>>
      tpu.wait_dma2 semaphore(%run_scoped3A : memref<!tpu.dma_semaphore, #tpu.memory_space<semaphore_mem>>) src(%arg8 : memref<64x1024xf32, #tpu.memory_space<vmem>>) dst(%dma_wait3A_38 : memref<64x1024xf32, #tpu.memory_space<hbm>>)
      tpu.yield
    }) : () -> ()
    "tpu.region"() ({
      %run_scoped3A = tpu.sem_alloc : memref<!tpu.dma_semaphore, #tpu.memory_space<semaphore_mem>>
      %dma_start3A_31 = tpu.memref_slice %arg4[%add3A_18] : memref<4096xi32, #tpu.memory_space<hbm>> -> memref<64xi32, #tpu.memory_space<hbm>>
      %dma_start3A_32 = tpu.memref_slice %arg4[%add3A_18] : memref<4096xi32, #tpu.memory_space<hbm>> -> memref<64xi32, #tpu.memory_space<hbm>>
      tpu.enqueue_dma source(%dma_start3A_32 : memref<64xi32, #tpu.memory_space<hbm>>) target(%arg7 : memref<64xi32, #tpu.memory_space<vmem>>) target_semaphore(%run_scoped3A : memref<!tpu.dma_semaphore, #tpu.memory_space<semaphore_mem>>)
      %dma_wait3A_33 = tpu.memref_slice %arg4[%add3A_18] : memref<4096xi32, #tpu.memory_space<hbm>> -> memref<64xi32, #tpu.memory_space<hbm>>
      %dma_wait3A_34 = tpu.memref_slice %arg4[%add3A_18] : memref<4096xi32, #tpu.memory_space<hbm>> -> memref<64xi32, #tpu.memory_space<hbm>>
      tpu.wait_dma2 semaphore(%run_scoped3A : memref<!tpu.dma_semaphore, #tpu.memory_space<semaphore_mem>>) src(%dma_wait3A_34 : memref<64xi32, #tpu.memory_space<hbm>>) dst(%arg7 : memref<64xi32, #tpu.memory_space<vmem>>)
      tpu.yield
    }) : () -> ()
    %dma_start3A_25 = arith.constant 0 : i32
    %dma_start3A_26 = arith.constant 0 : i32
    %dma_start3A_27 = tpu.memref_slice %arg2[%dma_start3A_25, %dma_start3A_26] : memref<10240x1024xf32, #tpu.memory_space<hbm>> -> memref<10240x1024xf32, #tpu.memory_space<hbm>>
    tpu.enqueue_indirect_dma source(%dma_start3A_27 : memref<10240x1024xf32, #tpu.memory_space<hbm>>) target(%arg8 : memref<64x1024xf32, #tpu.memory_space<vmem>>) offsets(%arg7 : memref<64xi32, #tpu.memory_space<vmem>>) semaphore(%arg9 : memref<!tpu.dma_semaphore, #tpu.memory_space<semaphore_mem>>)
    %dma_wait3A_28 = arith.constant 0 : i32
    %dma_wait3A_29 = arith.constant 0 : i32
    %dma_wait3A_30 = tpu.memref_slice %arg2[%dma_wait3A_28, %dma_wait3A_29] : memref<10240x1024xf32, #tpu.memory_space<hbm>> -> memref<10240x1024xf32, #tpu.memory_space<hbm>>
    tpu.wait_indirect_dma semaphore(%arg9 : memref<!tpu.dma_semaphore, #tpu.memory_space<semaphore_mem>>) src(%dma_wait3A_30 : memref<10240x1024xf32, #tpu.memory_space<hbm>>) dst(%arg8 : memref<64x1024xf32, #tpu.memory_space<vmem>>)
    "tpu.region"() ({
      %run_scoped3A = tpu.sem_alloc : memref<!tpu.dma_semaphore, #tpu.memory_space<semaphore_mem>>
      %dma_start3A_31 = arith.constant 0 : i32
      %dma_start3A_32 = tpu.memref_slice %arg6[%add3A_18, %dma_start3A_31] : memref<4096x1024xf32, #tpu.memory_space<hbm>> -> memref<64x1024xf32, #tpu.memory_space<hbm>>
      %dma_start3A_33 = arith.constant 0 : i32
      %dma_start3A_34 = tpu.memref_slice %arg6[%add3A_18, %dma_start3A_33] : memref<4096x1024xf32, #tpu.memory_space<hbm>> -> memref<64x1024xf32, #tpu.memory_space<hbm>>
      tpu.enqueue_dma source(%arg8 : memref<64x1024xf32, #tpu.memory_space<vmem>>) target(%dma_start3A_34 : memref<64x1024xf32, #tpu.memory_space<hbm>>) target_semaphore(%run_scoped3A : memref<!tpu.dma_semaphore, #tpu.memory_space<semaphore_mem>>)
      %dma_wait3A_35 = arith.constant 0 : i32
      %dma_wait3A_36 = tpu.memref_slice %arg6[%add3A_18, %dma_wait3A_35] : memref<4096x1024xf32, #tpu.memory_space<hbm>> -> memref<64x1024xf32, #tpu.memory_space<hbm>>
      %dma_wait3A_37 = arith.constant 0 : i32
      %dma_wait3A_38 = tpu.memref_slice %arg6[%add3A_18, %dma_wait3A_37] : memref<4096x1024xf32, #tpu.memory_space<hbm>> -> memref<64x1024xf32, #tpu.memory_space<hbm>>
      tpu.wait_dma2 semaphore(%run_scoped3A : memref<!tpu.dma_semaphore, #tpu.memory_space<semaphore_mem>>) src(%arg8 : memref<64x1024xf32, #tpu.memory_space<vmem>>) dst(%dma_wait3A_38 : memref<64x1024xf32, #tpu.memory_space<hbm>>)
      tpu.yield
    }) : () -> ()
    return
  }
}

module attributes {stable_mosaic.version = 14 : i64} {
  func.func @_router_body(%arg0: i32, %arg1: memref<4096x1024xf32, #tpu.memory_space<vmem>>, %arg2: memref<8x1024xf32, #tpu.memory_space<vmem>>, %arg3: memref<4096x2xf32, #tpu.memory_space<vmem>>, %arg4: memref<4096x2xi32, #tpu.memory_space<vmem>>) attributes {dimension_semantics = [#tpu.dimension_semantics<arbitrary>], iteration_bounds = array<i64: 1>, scalar_prefetch = 0 : i64, scratch_operands = 0 : i64, tpu.core_type = #tpu.core_type<tc>, window_params = [{pipeline_mode = #tpu.pipeline_mode<synchronous>, transform_indices = @transform_0, window_bounds = array<i64: 4096, 1024>}, {pipeline_mode = #tpu.pipeline_mode<synchronous>, transform_indices = @transform_1, window_bounds = array<i64: 8, 1024>}, {pipeline_mode = #tpu.pipeline_mode<synchronous>, transform_indices = @transform_2, window_bounds = array<i64: 4096, 2>}, {pipeline_mode = #tpu.pipeline_mode<synchronous>, transform_indices = @transform_3, window_bounds = array<i64: 4096, 2>}]} {
    %get3A = arith.constant 0 : index
    %get3A_0 = arith.constant 0 : index
    %get3A_1 = vector.load %arg1[%get3A, %get3A_0] : memref<4096x1024xf32, #tpu.memory_space<vmem>>, vector<4096x1024xf32>
    %get3A_2 = arith.constant 0 : index
    %get3A_3 = arith.constant 0 : index
    %get3A_4 = vector.load %arg2[%get3A_2, %get3A_3] : memref<8x1024xf32, #tpu.memory_space<vmem>>, vector<8x1024xf32>
    %dot_general3A = arith.constant dense<0.000000e+00> : vector<4096x8xf32>
    %dot_general3A_5 = tpu.matmul %get3A_1, %get3A_4, %dot_general3A {dimension_numbers = #tpu.dot_dimension_numbers<[1], [1], [0], [0], [0, 0, 1, 0], [], []>, transpose_lhs_hint = false} : vector<4096x1024xf32>, vector<8x1024xf32>, vector<4096x8xf32> -> vector<4096x8xf32>
    %iota3A = tpu.iota {dimensions = array<i32: 1>} : vector<4096x8xi32>
    %reduce_max3A = arith.constant dense<0xFF800000> : vector<4096xf32>
    %reduce_max3A_6 = vector.multi_reduction <maximumf>, %dot_general3A_5, %reduce_max3A [1] : vector<4096x8xf32> to vector<4096xf32>
    %broadcast_in_dim3A = vector.shape_cast %reduce_max3A_6 : vector<4096xf32> to vector<4096x1xf32>
    %eq3A = vector.broadcast %broadcast_in_dim3A : vector<4096x1xf32> to vector<4096x8xf32>
    %eq3A_7 = arith.cmpf oeq, %dot_general3A_5, %eq3A : vector<4096x8xf32>
    %jit3A = arith.constant 9 : i32
    %broadcast_in_dim3A_8 = vector.broadcast %jit3A : i32 to vector<4096x8xi32>
    %select_n3A = arith.select %eq3A_7, %iota3A, %broadcast_in_dim3A_8 : vector<4096x8xi1>, vector<4096x8xi32>
    %reduce_min3A = arith.constant dense<2147483647> : vector<4096xi32>
    %reduce_min3A_9 = vector.multi_reduction <minsi>, %select_n3A, %reduce_min3A [1] : vector<4096x8xi32> to vector<4096xi32>
    %broadcast_in_dim3A_10 = vector.shape_cast %reduce_min3A_9 : vector<4096xi32> to vector<4096x1xi32>
    %eq3A_11 = vector.broadcast %broadcast_in_dim3A_10 : vector<4096x1xi32> to vector<4096x8xi32>
    %eq3A_12 = arith.cmpi eq, %iota3A, %eq3A_11 : vector<4096x8xi32>
    %jit3A_13 = arith.constant 0xFF800000 : f32
    %broadcast_in_dim3A_14 = vector.broadcast %jit3A_13 : f32 to vector<4096x8xf32>
    %select_n3A_15 = arith.select %eq3A_12, %broadcast_in_dim3A_14, %dot_general3A_5 : vector<4096x8xi1>, vector<4096x8xf32>
    %reduce_max3A_16 = arith.constant dense<0xFF800000> : vector<4096xf32>
    %reduce_max3A_17 = vector.multi_reduction <maximumf>, %select_n3A_15, %reduce_max3A_16 [1] : vector<4096x8xf32> to vector<4096xf32>
    %broadcast_in_dim3A_18 = vector.shape_cast %reduce_max3A_17 : vector<4096xf32> to vector<4096x1xf32>
    %eq3A_19 = vector.broadcast %broadcast_in_dim3A_18 : vector<4096x1xf32> to vector<4096x8xf32>
    %eq3A_20 = arith.cmpf oeq, %select_n3A_15, %eq3A_19 : vector<4096x8xf32>
    %jit3A_21 = arith.constant 9 : i32
    %broadcast_in_dim3A_22 = vector.broadcast %jit3A_21 : i32 to vector<4096x8xi32>
    %select_n3A_23 = arith.select %eq3A_20, %iota3A, %broadcast_in_dim3A_22 : vector<4096x8xi1>, vector<4096x8xi32>
    %reduce_min3A_24 = arith.constant dense<2147483647> : vector<4096xi32>
    %reduce_min3A_25 = vector.multi_reduction <minsi>, %select_n3A_23, %reduce_min3A_24 [1] : vector<4096x8xi32> to vector<4096xi32>
    %broadcast_in_dim3A_26 = vector.shape_cast %reduce_min3A_25 : vector<4096xi32> to vector<4096x1xi32>
    %sub3A = arith.subf %broadcast_in_dim3A_18, %broadcast_in_dim3A : vector<4096x1xf32>
    %exp3A = math.exp %sub3A : vector<4096x1xf32>
    %add3A = arith.constant 1.000000e+00 : f32
    %add3A_27 = vector.broadcast %add3A : f32 to vector<4096x1xf32>
    %add3A_28 = arith.addf %add3A_27, %exp3A : vector<4096x1xf32>
    %div3A = arith.constant 1.000000e+00 : f32
    %div3A_29 = vector.broadcast %div3A : f32 to vector<4096x1xf32>
    %div3A_30 = arith.divf %div3A_29, %add3A_28 : vector<4096x1xf32>
    %sub3A_31 = arith.constant 1.000000e+00 : f32
    %sub3A_32 = vector.broadcast %sub3A_31 : f32 to vector<4096x1xf32>
    %sub3A_33 = arith.subf %sub3A_32, %div3A_30 : vector<4096x1xf32>
    %concatenate3A = tpu.concatenate %div3A_30, %sub3A_33 in 1 : vector<4096x1xf32>, vector<4096x1xf32> -> vector<4096x2xf32>
    %swap3A = arith.constant 0 : index
    %swap3A_34 = arith.constant 0 : index
    %swap3A_35 = vector.load %arg3[%swap3A, %swap3A_34] : memref<4096x2xf32, #tpu.memory_space<vmem>>, vector<4096x2xf32>
    tpu.vector_store %arg3[%swap3A, %swap3A_34], %concatenate3A {strides = array<i32>} : memref<4096x2xf32, #tpu.memory_space<vmem>>, vector<4096x2xf32>,
    %concatenate3A_36 = tpu.concatenate %broadcast_in_dim3A_10, %broadcast_in_dim3A_26 in 1 : vector<4096x1xi32>, vector<4096x1xi32> -> vector<4096x2xi32>
    %swap3A_37 = arith.constant 0 : index
    %swap3A_38 = arith.constant 0 : index
    %swap3A_39 = vector.load %arg4[%swap3A_37, %swap3A_38] : memref<4096x2xi32, #tpu.memory_space<vmem>>, vector<4096x2xi32>
    tpu.vector_store %arg4[%swap3A_37, %swap3A_38], %concatenate3A_36 {strides = array<i32>} : memref<4096x2xi32, #tpu.memory_space<vmem>>, vector<4096x2xi32>,
    return
  }
  func.func @transform_0(%arg0: i32) -> (i32, i32) {
    %c0_i32 = arith.constant 0 : i32
    %c0_i32_0 = arith.constant 0 : i32
    %c0_i32_1 = arith.constant 0 : i32
    return %c0_i32, %c0_i32_0 : i32, i32
  }
  func.func @transform_1(%arg0: i32) -> (i32, i32) {
    %c0_i32 = arith.constant 0 : i32
    %c0_i32_0 = arith.constant 0 : i32
    %c0_i32_1 = arith.constant 0 : i32
    return %c0_i32, %c0_i32_0 : i32, i32
  }
  func.func @transform_2(%arg0: i32) -> (i32, i32) {
    %c0_i32 = arith.constant 0 : i32
    %c0_i32_0 = arith.constant 0 : i32
    %c0_i32_1 = arith.constant 0 : i32
    return %c0_i32, %c0_i32_0 : i32, i32
  }
  func.func @transform_3(%arg0: i32) -> (i32, i32) {
    %c0_i32 = arith.constant 0 : i32
    %c0_i32_0 = arith.constant 0 : i32
    %c0_i32_1 = arith.constant 0 : i32
    return %c0_i32, %c0_i32_0 : i32, i32
  }
}

module attributes {stable_mosaic.version = 14 : i64} {
  func.func @_sort_body(%arg0: i32, %arg1: memref<512x16xi32, #tpu.memory_space<vmem>>, %arg2: memref<512x512xf32, #tpu.memory_space<vmem>>, %arg3: memref<16x16xf32, #tpu.memory_space<vmem>>, %arg4: memref<16x8xf32, #tpu.memory_space<vmem>>, %arg5: memref<16x8xf32, #tpu.memory_space<vmem>>, %arg6: memref<512x8xi32, #tpu.memory_space<vmem>>, %arg7: memref<512x8xi32, #tpu.memory_space<vmem>>, %arg8: memref<8x40xi32, #tpu.memory_space<vmem>>) attributes {dimension_semantics = [#tpu.dimension_semantics<arbitrary>], iteration_bounds = array<i64: 1>, scalar_prefetch = 0 : i64, scratch_operands = 0 : i64, tpu.core_type = #tpu.core_type<tc>, window_params = [{pipeline_mode = #tpu.pipeline_mode<synchronous>, transform_indices = @transform_0, window_bounds = array<i64: 512, 16>}, {pipeline_mode = #tpu.pipeline_mode<synchronous>, transform_indices = @transform_1, window_bounds = array<i64: 512, 512>}, {pipeline_mode = #tpu.pipeline_mode<synchronous>, transform_indices = @transform_2, window_bounds = array<i64: 16, 16>}, {pipeline_mode = #tpu.pipeline_mode<synchronous>, transform_indices = @transform_3, window_bounds = array<i64: 16, 8>}, {pipeline_mode = #tpu.pipeline_mode<synchronous>, transform_indices = @transform_4, window_bounds = array<i64: 16, 8>}, {pipeline_mode = #tpu.pipeline_mode<synchronous>, transform_indices = @transform_5, window_bounds = array<i64: 512, 8>}, {pipeline_mode = #tpu.pipeline_mode<synchronous>, transform_indices = @transform_6, window_bounds = array<i64: 512, 8>}, {pipeline_mode = #tpu.pipeline_mode<synchronous>, transform_indices = @transform_7, window_bounds = array<i64: 8, 40>}]} {
    %get3A = arith.constant 0 : index
    %get3A_0 = arith.constant 0 : index
    %get3A_1 = vector.load %arg1[%get3A, %get3A_0] : memref<512x16xi32, #tpu.memory_space<vmem>>, vector<512x16xi32>
    %get3A_2 = arith.constant 0 : index
    %get3A_3 = arith.constant 0 : index
    %get3A_4 = vector.load %arg2[%get3A_2, %get3A_3] : memref<512x512xf32, #tpu.memory_space<vmem>>, vector<512x512xf32>
    %get3A_5 = arith.constant 0 : index
    %get3A_6 = arith.constant 0 : index
    %get3A_7 = vector.load %arg3[%get3A_5, %get3A_6] : memref<16x16xf32, #tpu.memory_space<vmem>>, vector<16x16xf32>
    %broadcast_in_dim3A = arith.constant 0.000000e+00 : f32
    %broadcast_in_dim3A_8 = vector.broadcast %broadcast_in_dim3A : f32 to vector<512x16xf32>
    %broadcast_in_dim3A_9 = arith.constant 0.000000e+00 : f32
    %broadcast_in_dim3A_10 = vector.broadcast %broadcast_in_dim3A_9 : f32 to vector<1x1xf32>
    %iota3A = tpu.iota {dimensions = array<i32: 1>} : vector<8x40xi32>
    %mul3A = arith.constant 256 : i32
    %mul3A_11 = vector.broadcast %mul3A : i32 to vector<8x40xi32>
    %mul3A_12 = arith.muli %mul3A_11, %iota3A : vector<8x40xi32>
    %convert_element_type3A = arith.sitofp %mul3A_12 : vector<8x40xi32> to vector<8x40xf32>
    %broadcast_in_dim3A_13 = arith.constant 0.000000e+00 : f32
    %broadcast_in_dim3A_14 = vector.broadcast %broadcast_in_dim3A_13 : f32 to vector<8x40xf32>
    %eq3A = arith.constant 0 : i32
    %eq3A_15 = vector.broadcast %eq3A : i32 to vector<512x16xi32>
    %eq3A_16 = arith.cmpi eq, %get3A_1, %eq3A_15 : vector<512x16xi32>
    %convert_element_type3A_17 = arith.extui %eq3A_16 : vector<512x16xi1> to vector<512x16xi32>
    %convert_element_type3A_18 = arith.sitofp %convert_element_type3A_17 : vector<512x16xi32> to vector<512x16xf32>
    %dot_general3A = arith.constant dense<0.000000e+00> : vector<512x16xf32>
    %dot_general3A_19 = tpu.matmul %get3A_4, %convert_element_type3A_18, %dot_general3A {dimension_numbers = #tpu.dot_dimension_numbers<[1], [0], [0], [1], [0, 0, 1, 1], [], []>, transpose_lhs_hint = false} : vector<512x512xf32>, vector<512x16xf32>, vector<512x16xf32> -> vector<512x16xf32>
    %slice3A = vector.extract_strided_slice %dot_general3A_19 {offsets = [511, 0], sizes = [1, 16], strides = [1, 1]} : vector<512x16xf32> to vector<1x16xf32>
    %dot_general3A_20 = arith.constant dense<0.000000e+00> : vector<1x16xf32>
    %dot_general3A_21 = tpu.matmul %slice3A, %get3A_7, %dot_general3A_20 {dimension_numbers = #tpu.dot_dimension_numbers<[1], [0], [0], [1], [0, 0, 1, 1], [], []>, transpose_lhs_hint = false} : vector<1x16xf32>, vector<16x16xf32>, vector<1x16xf32> -> vector<1x16xf32>
    %add3A = vector.broadcast %dot_general3A_21 : vector<1x16xf32> to vector<512x16xf32>
    %add3A_22 = arith.addf %dot_general3A_19, %add3A : vector<512x16xf32>
    %add3A_23 = vector.broadcast %broadcast_in_dim3A_10 : vector<1x1xf32> to vector<512x16xf32>
    %add3A_24 = arith.addf %add3A_23, %add3A_22 : vector<512x16xf32>
    %sub3A = arith.constant 1.000000e+00 : f32
    %sub3A_25 = vector.broadcast %sub3A : f32 to vector<512x16xf32>
    %sub3A_26 = arith.subf %add3A_24, %sub3A_25 : vector<512x16xf32>
    %mul3A_27 = arith.mulf %convert_element_type3A_18, %sub3A_26 : vector<512x16xf32>
    %add3A_28 = arith.addf %broadcast_in_dim3A_8, %mul3A_27 : vector<512x16xf32>
    %le3A = vector.broadcast %broadcast_in_dim3A_10 : vector<1x1xf32> to vector<8x40xf32>
    %le3A_29 = arith.cmpf ole, %le3A, %convert_element_type3A : vector<8x40xf32>
    %convert_element_type3A_30 = arith.extui %le3A_29 : vector<8x40xi1> to vector<8x40xi32>
    %convert_element_type3A_31 = arith.sitofp %convert_element_type3A_30 : vector<8x40xi32> to vector<8x40xf32>
    %add3A_32 = arith.addf %broadcast_in_dim3A_14, %convert_element_type3A_31 : vector<8x40xf32>
    %slice3A_33 = vector.extract_strided_slice %dot_general3A_21 {offsets = [0, 15], sizes = [1, 1], strides = [1, 1]} : vector<1x16xf32> to vector<1x1xf32>
    %slice3A_34 = vector.extract_strided_slice %slice3A {offsets = [0, 15], sizes = [1, 1], strides = [1, 1]} : vector<1x16xf32> to vector<1x1xf32>
    %add3A_35 = arith.addf %slice3A_33, %slice3A_34 : vector<1x1xf32>
    %mul3A_36 = arith.constant 3.906250e-03 : f32
    %mul3A_37 = vector.broadcast %mul3A_36 : f32 to vector<1x1xf32>
    %mul3A_38 = arith.mulf %add3A_35, %mul3A_37 : vector<1x1xf32>
    %ceil3A = math.ceil %mul3A_38 : vector<1x1xf32>
    %mul3A_39 = arith.constant 2.560000e+02 : f32
    %mul3A_40 = vector.broadcast %mul3A_39 : f32 to vector<1x1xf32>
    %mul3A_41 = arith.mulf %ceil3A, %mul3A_40 : vector<1x1xf32>
    %add3A_42 = arith.addf %broadcast_in_dim3A_10, %mul3A_41 : vector<1x1xf32>
    %eq3A_43 = arith.constant 1 : i32
    %eq3A_44 = vector.broadcast %eq3A_43 : i32 to vector<512x16xi32>
    %eq3A_45 = arith.cmpi eq, %get3A_1, %eq3A_44 : vector<512x16xi32>
    %convert_element_type3A_46 = arith.extui %eq3A_45 : vector<512x16xi1> to vector<512x16xi32>
    %convert_element_type3A_47 = arith.sitofp %convert_element_type3A_46 : vector<512x16xi32> to vector<512x16xf32>
    %dot_general3A_48 = arith.constant dense<0.000000e+00> : vector<512x16xf32>
    %dot_general3A_49 = tpu.matmul %get3A_4, %convert_element_type3A_47, %dot_general3A_48 {dimension_numbers = #tpu.dot_dimension_numbers<[1], [0], [0], [1], [0, 0, 1, 1], [], []>, transpose_lhs_hint = false} : vector<512x512xf32>, vector<512x16xf32>, vector<512x16xf32> -> vector<512x16xf32>
    %slice3A_50 = vector.extract_strided_slice %dot_general3A_49 {offsets = [511, 0], sizes = [1, 16], strides = [1, 1]} : vector<512x16xf32> to vector<1x16xf32>
    %dot_general3A_51 = arith.constant dense<0.000000e+00> : vector<1x16xf32>
    %dot_general3A_52 = tpu.matmul %slice3A_50, %get3A_7, %dot_general3A_51 {dimension_numbers = #tpu.dot_dimension_numbers<[1], [0], [0], [1], [0, 0, 1, 1], [], []>, transpose_lhs_hint = false} : vector<1x16xf32>, vector<16x16xf32>, vector<1x16xf32> -> vector<1x16xf32>
    %add3A_53 = vector.broadcast %dot_general3A_52 : vector<1x16xf32> to vector<512x16xf32>
    %add3A_54 = arith.addf %dot_general3A_49, %add3A_53 : vector<512x16xf32>
    %add3A_55 = vector.broadcast %add3A_42 : vector<1x1xf32> to vector<512x16xf32>
    %add3A_56 = arith.addf %add3A_55, %add3A_54 : vector<512x16xf32>
    %sub3A_57 = arith.constant 1.000000e+00 : f32
    %sub3A_58 = vector.broadcast %sub3A_57 : f32 to vector<512x16xf32>
    %sub3A_59 = arith.subf %add3A_56, %sub3A_58 : vector<512x16xf32>
    %mul3A_60 = arith.mulf %convert_element_type3A_47, %sub3A_59 : vector<512x16xf32>
    %add3A_61 = arith.addf %add3A_28, %mul3A_60 : vector<512x16xf32>
    %le3A_62 = vector.broadcast %add3A_42 : vector<1x1xf32> to vector<8x40xf32>
    %le3A_63 = arith.cmpf ole, %le3A_62, %convert_element_type3A : vector<8x40xf32>
    %convert_element_type3A_64 = arith.extui %le3A_63 : vector<8x40xi1> to vector<8x40xi32>
    %convert_element_type3A_65 = arith.sitofp %convert_element_type3A_64 : vector<8x40xi32> to vector<8x40xf32>
    %add3A_66 = arith.addf %add3A_32, %convert_element_type3A_65 : vector<8x40xf32>
    %slice3A_67 = vector.extract_strided_slice %dot_general3A_52 {offsets = [0, 15], sizes = [1, 1], strides = [1, 1]} : vector<1x16xf32> to vector<1x1xf32>
    %slice3A_68 = vector.extract_strided_slice %slice3A_50 {offsets = [0, 15], sizes = [1, 1], strides = [1, 1]} : vector<1x16xf32> to vector<1x1xf32>
    %add3A_69 = arith.addf %slice3A_67, %slice3A_68 : vector<1x1xf32>
    %mul3A_70 = arith.constant 3.906250e-03 : f32
    %mul3A_71 = vector.broadcast %mul3A_70 : f32 to vector<1x1xf32>
    %mul3A_72 = arith.mulf %add3A_69, %mul3A_71 : vector<1x1xf32>
    %ceil3A_73 = math.ceil %mul3A_72 : vector<1x1xf32>
    %mul3A_74 = arith.constant 2.560000e+02 : f32
    %mul3A_75 = vector.broadcast %mul3A_74 : f32 to vector<1x1xf32>
    %mul3A_76 = arith.mulf %ceil3A_73, %mul3A_75 : vector<1x1xf32>
    %add3A_77 = arith.addf %add3A_42, %mul3A_76 : vector<1x1xf32>
    %eq3A_78 = arith.constant 2 : i32
    %eq3A_79 = vector.broadcast %eq3A_78 : i32 to vector<512x16xi32>
    %eq3A_80 = arith.cmpi eq, %get3A_1, %eq3A_79 : vector<512x16xi32>
    %convert_element_type3A_81 = arith.extui %eq3A_80 : vector<512x16xi1> to vector<512x16xi32>
    %convert_element_type3A_82 = arith.sitofp %convert_element_type3A_81 : vector<512x16xi32> to vector<512x16xf32>
    %dot_general3A_83 = arith.constant dense<0.000000e+00> : vector<512x16xf32>
    %dot_general3A_84 = tpu.matmul %get3A_4, %convert_element_type3A_82, %dot_general3A_83 {dimension_numbers = #tpu.dot_dimension_numbers<[1], [0], [0], [1], [0, 0, 1, 1], [], []>, transpose_lhs_hint = false} : vector<512x512xf32>, vector<512x16xf32>, vector<512x16xf32> -> vector<512x16xf32>
    %slice3A_85 = vector.extract_strided_slice %dot_general3A_84 {offsets = [511, 0], sizes = [1, 16], strides = [1, 1]} : vector<512x16xf32> to vector<1x16xf32>
    %dot_general3A_86 = arith.constant dense<0.000000e+00> : vector<1x16xf32>
    %dot_general3A_87 = tpu.matmul %slice3A_85, %get3A_7, %dot_general3A_86 {dimension_numbers = #tpu.dot_dimension_numbers<[1], [0], [0], [1], [0, 0, 1, 1], [], []>, transpose_lhs_hint = false} : vector<1x16xf32>, vector<16x16xf32>, vector<1x16xf32> -> vector<1x16xf32>
    %add3A_88 = vector.broadcast %dot_general3A_87 : vector<1x16xf32> to vector<512x16xf32>
    %add3A_89 = arith.addf %dot_general3A_84, %add3A_88 : vector<512x16xf32>
    %add3A_90 = vector.broadcast %add3A_77 : vector<1x1xf32> to vector<512x16xf32>
    %add3A_91 = arith.addf %add3A_90, %add3A_89 : vector<512x16xf32>
    %sub3A_92 = arith.constant 1.000000e+00 : f32
    %sub3A_93 = vector.broadcast %sub3A_92 : f32 to vector<512x16xf32>
    %sub3A_94 = arith.subf %add3A_91, %sub3A_93 : vector<512x16xf32>
    %mul3A_95 = arith.mulf %convert_element_type3A_82, %sub3A_94 : vector<512x16xf32>
    %add3A_96 = arith.addf %add3A_61, %mul3A_95 : vector<512x16xf32>
    %le3A_97 = vector.broadcast %add3A_77 : vector<1x1xf32> to vector<8x40xf32>
    %le3A_98 = arith.cmpf ole, %le3A_97, %convert_element_type3A : vector<8x40xf32>
    %convert_element_type3A_99 = arith.extui %le3A_98 : vector<8x40xi1> to vector<8x40xi32>
    %convert_element_type3A_100 = arith.sitofp %convert_element_type3A_99 : vector<8x40xi32> to vector<8x40xf32>
    %add3A_101 = arith.addf %add3A_66, %convert_element_type3A_100 : vector<8x40xf32>
    %slice3A_102 = vector.extract_strided_slice %dot_general3A_87 {offsets = [0, 15], sizes = [1, 1], strides = [1, 1]} : vector<1x16xf32> to vector<1x1xf32>
    %slice3A_103 = vector.extract_strided_slice %slice3A_85 {offsets = [0, 15], sizes = [1, 1], strides = [1, 1]} : vector<1x16xf32> to vector<1x1xf32>
    %add3A_104 = arith.addf %slice3A_102, %slice3A_103 : vector<1x1xf32>
    %mul3A_105 = arith.constant 3.906250e-03 : f32
    %mul3A_106 = vector.broadcast %mul3A_105 : f32 to vector<1x1xf32>
    %mul3A_107 = arith.mulf %add3A_104, %mul3A_106 : vector<1x1xf32>
    %ceil3A_108 = math.ceil %mul3A_107 : vector<1x1xf32>
    %mul3A_109 = arith.constant 2.560000e+02 : f32
    %mul3A_110 = vector.broadcast %mul3A_109 : f32 to vector<1x1xf32>
    %mul3A_111 = arith.mulf %ceil3A_108, %mul3A_110 : vector<1x1xf32>
    %add3A_112 = arith.addf %add3A_77, %mul3A_111 : vector<1x1xf32>
    %eq3A_113 = arith.constant 3 : i32
    %eq3A_114 = vector.broadcast %eq3A_113 : i32 to vector<512x16xi32>
    %eq3A_115 = arith.cmpi eq, %get3A_1, %eq3A_114 : vector<512x16xi32>
    %convert_element_type3A_116 = arith.extui %eq3A_115 : vector<512x16xi1> to vector<512x16xi32>
    %convert_element_type3A_117 = arith.sitofp %convert_element_type3A_116 : vector<512x16xi32> to vector<512x16xf32>
    %dot_general3A_118 = arith.constant dense<0.000000e+00> : vector<512x16xf32>
    %dot_general3A_119 = tpu.matmul %get3A_4, %convert_element_type3A_117, %dot_general3A_118 {dimension_numbers = #tpu.dot_dimension_numbers<[1], [0], [0], [1], [0, 0, 1, 1], [], []>, transpose_lhs_hint = false} : vector<512x512xf32>, vector<512x16xf32>, vector<512x16xf32> -> vector<512x16xf32>
    %slice3A_120 = vector.extract_strided_slice %dot_general3A_119 {offsets = [511, 0], sizes = [1, 16], strides = [1, 1]} : vector<512x16xf32> to vector<1x16xf32>
    %dot_general3A_121 = arith.constant dense<0.000000e+00> : vector<1x16xf32>
    %dot_general3A_122 = tpu.matmul %slice3A_120, %get3A_7, %dot_general3A_121 {dimension_numbers = #tpu.dot_dimension_numbers<[1], [0], [0], [1], [0, 0, 1, 1], [], []>, transpose_lhs_hint = false} : vector<1x16xf32>, vector<16x16xf32>, vector<1x16xf32> -> vector<1x16xf32>
    %add3A_123 = vector.broadcast %dot_general3A_122 : vector<1x16xf32> to vector<512x16xf32>
    %add3A_124 = arith.addf %dot_general3A_119, %add3A_123 : vector<512x16xf32>
    %add3A_125 = vector.broadcast %add3A_112 : vector<1x1xf32> to vector<512x16xf32>
    %add3A_126 = arith.addf %add3A_125, %add3A_124 : vector<512x16xf32>
    %sub3A_127 = arith.constant 1.000000e+00 : f32
    %sub3A_128 = vector.broadcast %sub3A_127 : f32 to vector<512x16xf32>
    %sub3A_129 = arith.subf %add3A_126, %sub3A_128 : vector<512x16xf32>
    %mul3A_130 = arith.mulf %convert_element_type3A_117, %sub3A_129 : vector<512x16xf32>
    %add3A_131 = arith.addf %add3A_96, %mul3A_130 : vector<512x16xf32>
    %le3A_132 = vector.broadcast %add3A_112 : vector<1x1xf32> to vector<8x40xf32>
    %le3A_133 = arith.cmpf ole, %le3A_132, %convert_element_type3A : vector<8x40xf32>
    %convert_element_type3A_134 = arith.extui %le3A_133 : vector<8x40xi1> to vector<8x40xi32>
    %convert_element_type3A_135 = arith.sitofp %convert_element_type3A_134 : vector<8x40xi32> to vector<8x40xf32>
    %add3A_136 = arith.addf %add3A_101, %convert_element_type3A_135 : vector<8x40xf32>
    %slice3A_137 = vector.extract_strided_slice %dot_general3A_122 {offsets = [0, 15], sizes = [1, 1], strides = [1, 1]} : vector<1x16xf32> to vector<1x1xf32>
    %slice3A_138 = vector.extract_strided_slice %slice3A_120 {offsets = [0, 15], sizes = [1, 1], strides = [1, 1]} : vector<1x16xf32> to vector<1x1xf32>
    %add3A_139 = arith.addf %slice3A_137, %slice3A_138 : vector<1x1xf32>
    %mul3A_140 = arith.constant 3.906250e-03 : f32
    %mul3A_141 = vector.broadcast %mul3A_140 : f32 to vector<1x1xf32>
    %mul3A_142 = arith.mulf %add3A_139, %mul3A_141 : vector<1x1xf32>
    %ceil3A_143 = math.ceil %mul3A_142 : vector<1x1xf32>
    %mul3A_144 = arith.constant 2.560000e+02 : f32
    %mul3A_145 = vector.broadcast %mul3A_144 : f32 to vector<1x1xf32>
    %mul3A_146 = arith.mulf %ceil3A_143, %mul3A_145 : vector<1x1xf32>
    %add3A_147 = arith.addf %add3A_112, %mul3A_146 : vector<1x1xf32>
    %eq3A_148 = arith.constant 4 : i32
    %eq3A_149 = vector.broadcast %eq3A_148 : i32 to vector<512x16xi32>
    %eq3A_150 = arith.cmpi eq, %get3A_1, %eq3A_149 : vector<512x16xi32>
    %convert_element_type3A_151 = arith.extui %eq3A_150 : vector<512x16xi1> to vector<512x16xi32>
    %convert_element_type3A_152 = arith.sitofp %convert_element_type3A_151 : vector<512x16xi32> to vector<512x16xf32>
    %dot_general3A_153 = arith.constant dense<0.000000e+00> : vector<512x16xf32>
    %dot_general3A_154 = tpu.matmul %get3A_4, %convert_element_type3A_152, %dot_general3A_153 {dimension_numbers = #tpu.dot_dimension_numbers<[1], [0], [0], [1], [0, 0, 1, 1], [], []>, transpose_lhs_hint = false} : vector<512x512xf32>, vector<512x16xf32>, vector<512x16xf32> -> vector<512x16xf32>
    %slice3A_155 = vector.extract_strided_slice %dot_general3A_154 {offsets = [511, 0], sizes = [1, 16], strides = [1, 1]} : vector<512x16xf32> to vector<1x16xf32>
    %dot_general3A_156 = arith.constant dense<0.000000e+00> : vector<1x16xf32>
    %dot_general3A_157 = tpu.matmul %slice3A_155, %get3A_7, %dot_general3A_156 {dimension_numbers = #tpu.dot_dimension_numbers<[1], [0], [0], [1], [0, 0, 1, 1], [], []>, transpose_lhs_hint = false} : vector<1x16xf32>, vector<16x16xf32>, vector<1x16xf32> -> vector<1x16xf32>
    %add3A_158 = vector.broadcast %dot_general3A_157 : vector<1x16xf32> to vector<512x16xf32>
    %add3A_159 = arith.addf %dot_general3A_154, %add3A_158 : vector<512x16xf32>
    %add3A_160 = vector.broadcast %add3A_147 : vector<1x1xf32> to vector<512x16xf32>
    %add3A_161 = arith.addf %add3A_160, %add3A_159 : vector<512x16xf32>
    %sub3A_162 = arith.constant 1.000000e+00 : f32
    %sub3A_163 = vector.broadcast %sub3A_162 : f32 to vector<512x16xf32>
    %sub3A_164 = arith.subf %add3A_161, %sub3A_163 : vector<512x16xf32>
    %mul3A_165 = arith.mulf %convert_element_type3A_152, %sub3A_164 : vector<512x16xf32>
    %add3A_166 = arith.addf %add3A_131, %mul3A_165 : vector<512x16xf32>
    %le3A_167 = vector.broadcast %add3A_147 : vector<1x1xf32> to vector<8x40xf32>
    %le3A_168 = arith.cmpf ole, %le3A_167, %convert_element_type3A : vector<8x40xf32>
    %convert_element_type3A_169 = arith.extui %le3A_168 : vector<8x40xi1> to vector<8x40xi32>
    %convert_element_type3A_170 = arith.sitofp %convert_element_type3A_169 : vector<8x40xi32> to vector<8x40xf32>
    %add3A_171 = arith.addf %add3A_136, %convert_element_type3A_170 : vector<8x40xf32>
    %slice3A_172 = vector.extract_strided_slice %dot_general3A_157 {offsets = [0, 15], sizes = [1, 1], strides = [1, 1]} : vector<1x16xf32> to vector<1x1xf32>
    %slice3A_173 = vector.extract_strided_slice %slice3A_155 {offsets = [0, 15], sizes = [1, 1], strides = [1, 1]} : vector<1x16xf32> to vector<1x1xf32>
    %add3A_174 = arith.addf %slice3A_172, %slice3A_173 : vector<1x1xf32>
    %mul3A_175 = arith.constant 3.906250e-03 : f32
    %mul3A_176 = vector.broadcast %mul3A_175 : f32 to vector<1x1xf32>
    %mul3A_177 = arith.mulf %add3A_174, %mul3A_176 : vector<1x1xf32>
    %ceil3A_178 = math.ceil %mul3A_177 : vector<1x1xf32>
    %mul3A_179 = arith.constant 2.560000e+02 : f32
    %mul3A_180 = vector.broadcast %mul3A_179 : f32 to vector<1x1xf32>
    %mul3A_181 = arith.mulf %ceil3A_178, %mul3A_180 : vector<1x1xf32>
    %add3A_182 = arith.addf %add3A_147, %mul3A_181 : vector<1x1xf32>
    %eq3A_183 = arith.constant 5 : i32
    %eq3A_184 = vector.broadcast %eq3A_183 : i32 to vector<512x16xi32>
    %eq3A_185 = arith.cmpi eq, %get3A_1, %eq3A_184 : vector<512x16xi32>
    %convert_element_type3A_186 = arith.extui %eq3A_185 : vector<512x16xi1> to vector<512x16xi32>
    %convert_element_type3A_187 = arith.sitofp %convert_element_type3A_186 : vector<512x16xi32> to vector<512x16xf32>
    %dot_general3A_188 = arith.constant dense<0.000000e+00> : vector<512x16xf32>
    %dot_general3A_189 = tpu.matmul %get3A_4, %convert_element_type3A_187, %dot_general3A_188 {dimension_numbers = #tpu.dot_dimension_numbers<[1], [0], [0], [1], [0, 0, 1, 1], [], []>, transpose_lhs_hint = false} : vector<512x512xf32>, vector<512x16xf32>, vector<512x16xf32> -> vector<512x16xf32>
    %slice3A_190 = vector.extract_strided_slice %dot_general3A_189 {offsets = [511, 0], sizes = [1, 16], strides = [1, 1]} : vector<512x16xf32> to vector<1x16xf32>
    %dot_general3A_191 = arith.constant dense<0.000000e+00> : vector<1x16xf32>
    %dot_general3A_192 = tpu.matmul %slice3A_190, %get3A_7, %dot_general3A_191 {dimension_numbers = #tpu.dot_dimension_numbers<[1], [0], [0], [1], [0, 0, 1, 1], [], []>, transpose_lhs_hint = false} : vector<1x16xf32>, vector<16x16xf32>, vector<1x16xf32> -> vector<1x16xf32>
    %add3A_193 = vector.broadcast %dot_general3A_192 : vector<1x16xf32> to vector<512x16xf32>
    %add3A_194 = arith.addf %dot_general3A_189, %add3A_193 : vector<512x16xf32>
    %add3A_195 = vector.broadcast %add3A_182 : vector<1x1xf32> to vector<512x16xf32>
    %add3A_196 = arith.addf %add3A_195, %add3A_194 : vector<512x16xf32>
    %sub3A_197 = arith.constant 1.000000e+00 : f32
    %sub3A_198 = vector.broadcast %sub3A_197 : f32 to vector<512x16xf32>
    %sub3A_199 = arith.subf %add3A_196, %sub3A_198 : vector<512x16xf32>
    %mul3A_200 = arith.mulf %convert_element_type3A_187, %sub3A_199 : vector<512x16xf32>
    %add3A_201 = arith.addf %add3A_166, %mul3A_200 : vector<512x16xf32>
    %le3A_202 = vector.broadcast %add3A_182 : vector<1x1xf32> to vector<8x40xf32>
    %le3A_203 = arith.cmpf ole, %le3A_202, %convert_element_type3A : vector<8x40xf32>
    %convert_element_type3A_204 = arith.extui %le3A_203 : vector<8x40xi1> to vector<8x40xi32>
    %convert_element_type3A_205 = arith.sitofp %convert_element_type3A_204 : vector<8x40xi32> to vector<8x40xf32>
    %add3A_206 = arith.addf %add3A_171, %convert_element_type3A_205 : vector<8x40xf32>
    %slice3A_207 = vector.extract_strided_slice %dot_general3A_192 {offsets = [0, 15], sizes = [1, 1], strides = [1, 1]} : vector<1x16xf32> to vector<1x1xf32>
    %slice3A_208 = vector.extract_strided_slice %slice3A_190 {offsets = [0, 15], sizes = [1, 1], strides = [1, 1]} : vector<1x16xf32> to vector<1x1xf32>
    %add3A_209 = arith.addf %slice3A_207, %slice3A_208 : vector<1x1xf32>
    %mul3A_210 = arith.constant 3.906250e-03 : f32
    %mul3A_211 = vector.broadcast %mul3A_210 : f32 to vector<1x1xf32>
    %mul3A_212 = arith.mulf %add3A_209, %mul3A_211 : vector<1x1xf32>
    %ceil3A_213 = math.ceil %mul3A_212 : vector<1x1xf32>
    %mul3A_214 = arith.constant 2.560000e+02 : f32
    %mul3A_215 = vector.broadcast %mul3A_214 : f32 to vector<1x1xf32>
    %mul3A_216 = arith.mulf %ceil3A_213, %mul3A_215 : vector<1x1xf32>
    %add3A_217 = arith.addf %add3A_182, %mul3A_216 : vector<1x1xf32>
    %eq3A_218 = arith.constant 6 : i32
    %eq3A_219 = vector.broadcast %eq3A_218 : i32 to vector<512x16xi32>
    %eq3A_220 = arith.cmpi eq, %get3A_1, %eq3A_219 : vector<512x16xi32>
    %convert_element_type3A_221 = arith.extui %eq3A_220 : vector<512x16xi1> to vector<512x16xi32>
    %convert_element_type3A_222 = arith.sitofp %convert_element_type3A_221 : vector<512x16xi32> to vector<512x16xf32>
    %dot_general3A_223 = arith.constant dense<0.000000e+00> : vector<512x16xf32>
    %dot_general3A_224 = tpu.matmul %get3A_4, %convert_element_type3A_222, %dot_general3A_223 {dimension_numbers = #tpu.dot_dimension_numbers<[1], [0], [0], [1], [0, 0, 1, 1], [], []>, transpose_lhs_hint = false} : vector<512x512xf32>, vector<512x16xf32>, vector<512x16xf32> -> vector<512x16xf32>
    %slice3A_225 = vector.extract_strided_slice %dot_general3A_224 {offsets = [511, 0], sizes = [1, 16], strides = [1, 1]} : vector<512x16xf32> to vector<1x16xf32>
    %dot_general3A_226 = arith.constant dense<0.000000e+00> : vector<1x16xf32>
    %dot_general3A_227 = tpu.matmul %slice3A_225, %get3A_7, %dot_general3A_226 {dimension_numbers = #tpu.dot_dimension_numbers<[1], [0], [0], [1], [0, 0, 1, 1], [], []>, transpose_lhs_hint = false} : vector<1x16xf32>, vector<16x16xf32>, vector<1x16xf32> -> vector<1x16xf32>
    %add3A_228 = vector.broadcast %dot_general3A_227 : vector<1x16xf32> to vector<512x16xf32>
    %add3A_229 = arith.addf %dot_general3A_224, %add3A_228 : vector<512x16xf32>
    %add3A_230 = vector.broadcast %add3A_217 : vector<1x1xf32> to vector<512x16xf32>
    %add3A_231 = arith.addf %add3A_230, %add3A_229 : vector<512x16xf32>
    %sub3A_232 = arith.constant 1.000000e+00 : f32
    %sub3A_233 = vector.broadcast %sub3A_232 : f32 to vector<512x16xf32>
    %sub3A_234 = arith.subf %add3A_231, %sub3A_233 : vector<512x16xf32>
    %mul3A_235 = arith.mulf %convert_element_type3A_222, %sub3A_234 : vector<512x16xf32>
    %add3A_236 = arith.addf %add3A_201, %mul3A_235 : vector<512x16xf32>
    %le3A_237 = vector.broadcast %add3A_217 : vector<1x1xf32> to vector<8x40xf32>
    %le3A_238 = arith.cmpf ole, %le3A_237, %convert_element_type3A : vector<8x40xf32>
    %convert_element_type3A_239 = arith.extui %le3A_238 : vector<8x40xi1> to vector<8x40xi32>
    %convert_element_type3A_240 = arith.sitofp %convert_element_type3A_239 : vector<8x40xi32> to vector<8x40xf32>
    %add3A_241 = arith.addf %add3A_206, %convert_element_type3A_240 : vector<8x40xf32>
    %slice3A_242 = vector.extract_strided_slice %dot_general3A_227 {offsets = [0, 15], sizes = [1, 1], strides = [1, 1]} : vector<1x16xf32> to vector<1x1xf32>
    %slice3A_243 = vector.extract_strided_slice %slice3A_225 {offsets = [0, 15], sizes = [1, 1], strides = [1, 1]} : vector<1x16xf32> to vector<1x1xf32>
    %add3A_244 = arith.addf %slice3A_242, %slice3A_243 : vector<1x1xf32>
    %mul3A_245 = arith.constant 3.906250e-03 : f32
    %mul3A_246 = vector.broadcast %mul3A_245 : f32 to vector<1x1xf32>
    %mul3A_247 = arith.mulf %add3A_244, %mul3A_246 : vector<1x1xf32>
    %ceil3A_248 = math.ceil %mul3A_247 : vector<1x1xf32>
    %mul3A_249 = arith.constant 2.560000e+02 : f32
    %mul3A_250 = vector.broadcast %mul3A_249 : f32 to vector<1x1xf32>
    %mul3A_251 = arith.mulf %ceil3A_248, %mul3A_250 : vector<1x1xf32>
    %add3A_252 = arith.addf %add3A_217, %mul3A_251 : vector<1x1xf32>
    %eq3A_253 = arith.constant 7 : i32
    %eq3A_254 = vector.broadcast %eq3A_253 : i32 to vector<512x16xi32>
    %eq3A_255 = arith.cmpi eq, %get3A_1, %eq3A_254 : vector<512x16xi32>
    %convert_element_type3A_256 = arith.extui %eq3A_255 : vector<512x16xi1> to vector<512x16xi32>
    %convert_element_type3A_257 = arith.sitofp %convert_element_type3A_256 : vector<512x16xi32> to vector<512x16xf32>
    %dot_general3A_258 = arith.constant dense<0.000000e+00> : vector<512x16xf32>
    %dot_general3A_259 = tpu.matmul %get3A_4, %convert_element_type3A_257, %dot_general3A_258 {dimension_numbers = #tpu.dot_dimension_numbers<[1], [0], [0], [1], [0, 0, 1, 1], [], []>, transpose_lhs_hint = false} : vector<512x512xf32>, vector<512x16xf32>, vector<512x16xf32> -> vector<512x16xf32>
    %slice3A_260 = vector.extract_strided_slice %dot_general3A_259 {offsets = [511, 0], sizes = [1, 16], strides = [1, 1]} : vector<512x16xf32> to vector<1x16xf32>
    %dot_general3A_261 = arith.constant dense<0.000000e+00> : vector<1x16xf32>
    %dot_general3A_262 = tpu.matmul %slice3A_260, %get3A_7, %dot_general3A_261 {dimension_numbers = #tpu.dot_dimension_numbers<[1], [0], [0], [1], [0, 0, 1, 1], [], []>, transpose_lhs_hint = false} : vector<1x16xf32>, vector<16x16xf32>, vector<1x16xf32> -> vector<1x16xf32>
    %add3A_263 = vector.broadcast %dot_general3A_262 : vector<1x16xf32> to vector<512x16xf32>
    %add3A_264 = arith.addf %dot_general3A_259, %add3A_263 : vector<512x16xf32>
    %add3A_265 = vector.broadcast %add3A_252 : vector<1x1xf32> to vector<512x16xf32>
    %add3A_266 = arith.addf %add3A_265, %add3A_264 : vector<512x16xf32>
    %sub3A_267 = arith.constant 1.000000e+00 : f32
    %sub3A_268 = vector.broadcast %sub3A_267 : f32 to vector<512x16xf32>
    %sub3A_269 = arith.subf %add3A_266, %sub3A_268 : vector<512x16xf32>
    %mul3A_270 = arith.mulf %convert_element_type3A_257, %sub3A_269 : vector<512x16xf32>
    %add3A_271 = arith.addf %add3A_236, %mul3A_270 : vector<512x16xf32>
    %le3A_272 = vector.broadcast %add3A_252 : vector<1x1xf32> to vector<8x40xf32>
    %le3A_273 = arith.cmpf ole, %le3A_272, %convert_element_type3A : vector<8x40xf32>
    %convert_element_type3A_274 = arith.extui %le3A_273 : vector<8x40xi1> to vector<8x40xi32>
    %convert_element_type3A_275 = arith.sitofp %convert_element_type3A_274 : vector<8x40xi32> to vector<8x40xf32>
    %add3A_276 = arith.addf %add3A_241, %convert_element_type3A_275 : vector<8x40xf32>
    %get3A_277 = arith.constant 0 : index
    %get3A_278 = arith.constant 0 : index
    %get3A_279 = vector.load %arg4[%get3A_277, %get3A_278] : memref<16x8xf32, #tpu.memory_space<vmem>>, vector<16x8xf32>
    %dot_general3A_280 = arith.constant dense<0.000000e+00> : vector<512x8xf32>
    %dot_general3A_281 = tpu.matmul %add3A_271, %get3A_279, %dot_general3A_280 {dimension_numbers = #tpu.dot_dimension_numbers<[1], [0], [0], [1], [0, 0, 1, 1], [], []>, precision = #tpu.contract_precision<fp32>, transpose_lhs_hint = false} : vector<512x16xf32>, vector<16x8xf32>, vector<512x8xf32> -> vector<512x8xf32>
    %convert_element_type3A_282 = arith.fptosi %dot_general3A_281 : vector<512x8xf32> to vector<512x8xi32>
    %swap3A = arith.constant 0 : index
    %swap3A_283 = arith.constant 0 : index
    %swap3A_284 = vector.load %arg6[%swap3A, %swap3A_283] : memref<512x8xi32, #tpu.memory_space<vmem>>, vector<512x8xi32>
    tpu.vector_store %arg6[%swap3A, %swap3A_283], %convert_element_type3A_282 {strides = array<i32>} : memref<512x8xi32, #tpu.memory_space<vmem>>, vector<512x8xi32>,
    %get3A_285 = arith.constant 0 : index
    %get3A_286 = arith.constant 0 : index
    %get3A_287 = vector.load %arg5[%get3A_285, %get3A_286] : memref<16x8xf32, #tpu.memory_space<vmem>>, vector<16x8xf32>
    %dot_general3A_288 = arith.constant dense<0.000000e+00> : vector<512x8xf32>
    %dot_general3A_289 = tpu.matmul %add3A_271, %get3A_287, %dot_general3A_288 {dimension_numbers = #tpu.dot_dimension_numbers<[1], [0], [0], [1], [0, 0, 1, 1], [], []>, precision = #tpu.contract_precision<fp32>, transpose_lhs_hint = false} : vector<512x16xf32>, vector<16x8xf32>, vector<512x8xf32> -> vector<512x8xf32>
    %convert_element_type3A_290 = arith.fptosi %dot_general3A_289 : vector<512x8xf32> to vector<512x8xi32>
    %swap3A_291 = arith.constant 0 : index
    %swap3A_292 = arith.constant 0 : index
    %swap3A_293 = vector.load %arg7[%swap3A_291, %swap3A_292] : memref<512x8xi32, #tpu.memory_space<vmem>>, vector<512x8xi32>
    tpu.vector_store %arg7[%swap3A_291, %swap3A_292], %convert_element_type3A_290 {strides = array<i32>} : memref<512x8xi32, #tpu.memory_space<vmem>>, vector<512x8xi32>,
    %sub3A_294 = arith.constant 1.000000e+00 : f32
    %sub3A_295 = vector.broadcast %sub3A_294 : f32 to vector<8x40xf32>
    %sub3A_296 = arith.subf %add3A_276, %sub3A_295 : vector<8x40xf32>
    %convert_element_type3A_297 = arith.fptosi %sub3A_296 : vector<8x40xf32> to vector<8x40xi32>
    %swap3A_298 = arith.constant 0 : index
    %swap3A_299 = arith.constant 0 : index
    %swap3A_300 = vector.load %arg8[%swap3A_298, %swap3A_299] : memref<8x40xi32, #tpu.memory_space<vmem>>, vector<8x40xi32>
    tpu.vector_store %arg8[%swap3A_298, %swap3A_299], %convert_element_type3A_297 {strides = array<i32>} : memref<8x40xi32, #tpu.memory_space<vmem>>, vector<8x40xi32>,
    return
  }
  func.func @transform_0(%arg0: i32) -> (i32, i32) {
    %c0_i32 = arith.constant 0 : i32
    %c0_i32_0 = arith.constant 0 : i32
    %c0_i32_1 = arith.constant 0 : i32
    return %c0_i32, %c0_i32_0 : i32, i32
  }
  func.func @transform_1(%arg0: i32) -> (i32, i32) {
    %c0_i32 = arith.constant 0 : i32
    %c0_i32_0 = arith.constant 0 : i32
    %c0_i32_1 = arith.constant 0 : i32
    return %c0_i32, %c0_i32_0 : i32, i32
  }
  func.func @transform_2(%arg0: i32) -> (i32, i32) {
    %c0_i32 = arith.constant 0 : i32
    %c0_i32_0 = arith.constant 0 : i32
    %c0_i32_1 = arith.constant 0 : i32
    return %c0_i32, %c0_i32_0 : i32, i32
  }
  func.func @transform_3(%arg0: i32) -> (i32, i32) {
    %c0_i32 = arith.constant 0 : i32
    %c0_i32_0 = arith.constant 0 : i32
    %c0_i32_1 = arith.constant 0 : i32
    return %c0_i32, %c0_i32_0 : i32, i32
  }
  func.func @transform_4(%arg0: i32) -> (i32, i32) {
    %c0_i32 = arith.constant 0 : i32
    %c0_i32_0 = arith.constant 0 : i32
    %c0_i32_1 = arith.constant 0 : i32
    return %c0_i32, %c0_i32_0 : i32, i32
  }
  func.func @transform_5(%arg0: i32) -> (i32, i32) {
    %c0_i32 = arith.constant 0 : i32
    %c0_i32_0 = arith.constant 0 : i32
    %c0_i32_1 = arith.constant 0 : i32
    return %c0_i32, %c0_i32_0 : i32, i32
  }
  func.func @transform_6(%arg0: i32) -> (i32, i32) {
    %c0_i32 = arith.constant 0 : i32
    %c0_i32_0 = arith.constant 0 : i32
    %c0_i32_1 = arith.constant 0 : i32
    return %c0_i32, %c0_i32_0 : i32, i32
  }
  func.func @transform_7(%arg0: i32) -> (i32, i32) {
    %c0_i32 = arith.constant 0 : i32
    %c0_i32_0 = arith.constant 0 : i32
    %c0_i32_1 = arith.constant 0 : i32
    return %c0_i32, %c0_i32_0 : i32, i32
  }
}

module attributes {stable_mosaic.version = 14 : i64} {
  func.func @_group_mlp_body(%arg0: i32, %arg1: memref<40xi32, #tpu.memory_space<smem>>, %arg2: memref<256x1024xf32, #tpu.memory_space<vmem>>, %arg3: memref<1x2048x1024xf32, #tpu.memory_space<vmem>>, %arg4: memref<1x1024x1024xf32, #tpu.memory_space<vmem>>, %arg5: memref<256x1024xf32, #tpu.memory_space<vmem>>) attributes {dimension_semantics = [#tpu.dimension_semantics<arbitrary>], iteration_bounds = array<i64: 40>, scalar_prefetch = 1 : i64, scratch_operands = 0 : i64, tpu.core_type = #tpu.core_type<tc>, window_params = [{transform_indices = @transform_0, window_bounds = array<i64: 256, 1024>}, {transform_indices = @transform_1, window_bounds = array<i64: 1, 2048, 1024>}, {transform_indices = @transform_2, window_bounds = array<i64: 1, 1024, 1024>}, {transform_indices = @transform_3, window_bounds = array<i64: 256, 1024>}]} {
    %get3A = arith.constant 0 : index
    %get3A_0 = arith.constant 0 : index
    %get3A_1 = vector.load %arg2[%get3A, %get3A_0] : memref<256x1024xf32, #tpu.memory_space<vmem>>, vector<256x1024xf32>
    %get3A_2 = arith.constant 0 : index
    %get3A_3 = arith.constant 0 : index
    %get3A_4 = arith.constant 0 : index
    %get3A_5 = vector.load %arg3[%get3A_2, %get3A_3, %get3A_4] : memref<1x2048x1024xf32, #tpu.memory_space<vmem>>, vector<1x2048x1024xf32>
    %get3A_6 = vector.shape_cast %get3A_5 : vector<1x2048x1024xf32> to vector<2048x1024xf32>
    %dot_general3A = arith.constant dense<0.000000e+00> : vector<256x2048xf32>
    %dot_general3A_7 = tpu.matmul %get3A_1, %get3A_6, %dot_general3A {dimension_numbers = #tpu.dot_dimension_numbers<[1], [1], [0], [0], [0, 0, 1, 0], [], []>, transpose_lhs_hint = false} : vector<256x1024xf32>, vector<2048x1024xf32>, vector<256x2048xf32> -> vector<256x2048xf32>
    %slice3A = vector.extract_strided_slice %dot_general3A_7 {offsets = [0, 0], sizes = [256, 1024], strides = [1, 1]} : vector<256x2048xf32> to vector<256x1024xf32>
    %slice3A_8 = vector.extract_strided_slice %dot_general3A_7 {offsets = [0, 1024], sizes = [256, 1024], strides = [1, 1]} : vector<256x2048xf32> to vector<256x1024xf32>
    %logistic3A = arith.negf %slice3A : vector<256x1024xf32>
    %logistic3A_9 = math.exp %logistic3A : vector<256x1024xf32>
    %logistic3A_10 = arith.constant 1.000000e+00 : f32
    %logistic3A_11 = vector.broadcast %logistic3A_10 : f32 to vector<256x1024xf32>
    %logistic3A_12 = arith.addf %logistic3A_11, %logistic3A_9 : vector<256x1024xf32>
    %logistic3A_13 = arith.divf %logistic3A_11, %logistic3A_12 : vector<256x1024xf32>
    %mul3A = arith.mulf %slice3A, %logistic3A_13 : vector<256x1024xf32>
    %mul3A_14 = arith.mulf %mul3A, %slice3A_8 : vector<256x1024xf32>
    %get3A_15 = arith.constant 0 : index
    %get3A_16 = arith.constant 0 : index
    %get3A_17 = arith.constant 0 : index
    %get3A_18 = vector.load %arg4[%get3A_15, %get3A_16, %get3A_17] : memref<1x1024x1024xf32, #tpu.memory_space<vmem>>, vector<1x1024x1024xf32>
    %get3A_19 = vector.shape_cast %get3A_18 : vector<1x1024x1024xf32> to vector<1024x1024xf32>
    %dot_general3A_20 = arith.constant dense<0.000000e+00> : vector<256x1024xf32>
    %dot_general3A_21 = tpu.matmul %mul3A_14, %get3A_19, %dot_general3A_20 {dimension_numbers = #tpu.dot_dimension_numbers<[1], [1], [0], [0], [0, 0, 1, 0], [], []>, transpose_lhs_hint = false} : vector<256x1024xf32>, vector<1024x1024xf32>, vector<256x1024xf32> -> vector<256x1024xf32>
    %swap3A = arith.constant 0 : index
    %swap3A_22 = arith.constant 0 : index
    %swap3A_23 = vector.load %arg5[%swap3A, %swap3A_22] : memref<256x1024xf32, #tpu.memory_space<vmem>>, vector<256x1024xf32>
    tpu.vector_store %arg5[%swap3A, %swap3A_22], %dot_general3A_21 {strides = array<i32>} : memref<256x1024xf32, #tpu.memory_space<vmem>>, vector<256x1024xf32>,
    return
  }
  func.func @transform_0(%arg0: i32, %arg1: memref<40xi32, #tpu.memory_space<smem>>) -> (i32, i32) {
    %c0_i32 = arith.constant 0 : i32
    %c0_i32_0 = arith.constant 0 : i32
    return %arg0, %c0_i32 : i32, i32
  }
  func.func @transform_1(%arg0: i32, %arg1: memref<40xi32, #tpu.memory_space<smem>>) -> (i32, i32, i32) {
    %get3A = arith.index_cast %arg0 : i32 to index
    %get3A_0 = memref.load %arg1[%get3A] : memref<40xi32, #tpu.memory_space<smem>>
    %c0_i32 = arith.constant 0 : i32
    %c0_i32_1 = arith.constant 0 : i32
    %c0_i32_2 = arith.constant 0 : i32
    return %get3A_0, %c0_i32, %c0_i32_1 : i32, i32, i32
  }
  func.func @transform_2(%arg0: i32, %arg1: memref<40xi32, #tpu.memory_space<smem>>) -> (i32, i32, i32) {
    %get3A = arith.index_cast %arg0 : i32 to index
    %get3A_0 = memref.load %arg1[%get3A] : memref<40xi32, #tpu.memory_space<smem>>
    %c0_i32 = arith.constant 0 : i32
    %c0_i32_1 = arith.constant 0 : i32
    %c0_i32_2 = arith.constant 0 : i32
    return %get3A_0, %c0_i32, %c0_i32_1 : i32, i32, i32
  }
  func.func @transform_3(%arg0: i32, %arg1: memref<40xi32, #tpu.memory_space<smem>>) -> (i32, i32) {
    %c0_i32 = arith.constant 0 : i32
    %c0_i32_0 = arith.constant 0 : i32
    return %arg0, %c0_i32 : i32, i32
  }
}

module attributes {stable_mosaic.version = 14 : i64} {
  func.func @_shared_body(%arg0: i32, %arg1: memref<256x1024xf32, #tpu.memory_space<vmem>>, %arg2: memref<4096x1024xf32, #tpu.memory_space<vmem>>, %arg3: memref<1024x2048xf32, #tpu.memory_space<vmem>>, %arg4: memref<1x1024xf32, #tpu.memory_space<vmem>>, %arg5: memref<256x1024xf32, #tpu.memory_space<vmem>>) attributes {dimension_semantics = [#tpu.dimension_semantics<arbitrary>], iteration_bounds = array<i64: 8>, scalar_prefetch = 0 : i64, scratch_operands = 0 : i64, tpu.core_type = #tpu.core_type<tc>, window_params = [{transform_indices = @transform_0, window_bounds = array<i64: 256, 1024>}, {pipeline_mode = #tpu.pipeline_mode<synchronous>, transform_indices = @transform_1, window_bounds = array<i64: 4096, 1024>}, {pipeline_mode = #tpu.pipeline_mode<synchronous>, transform_indices = @transform_2, window_bounds = array<i64: 1024, 2048>}, {pipeline_mode = #tpu.pipeline_mode<synchronous>, transform_indices = @transform_3, window_bounds = array<i64: 1, 1024>}, {transform_indices = @transform_4, window_bounds = array<i64: 256, 1024>}]} {
    %get3A = arith.constant 0 : index
    %get3A_0 = arith.constant 0 : index
    %get3A_1 = vector.load %arg1[%get3A, %get3A_0] : memref<256x1024xf32, #tpu.memory_space<vmem>>, vector<256x1024xf32>
    %get3A_2 = arith.constant 0 : index
    %get3A_3 = arith.constant 0 : index
    %get3A_4 = vector.load %arg2[%get3A_2, %get3A_3] : memref<4096x1024xf32, #tpu.memory_space<vmem>>, vector<4096x1024xf32>
    %dot_general3A = arith.constant dense<0.000000e+00> : vector<256x4096xf32>
    %dot_general3A_5 = tpu.matmul %get3A_1, %get3A_4, %dot_general3A {dimension_numbers = #tpu.dot_dimension_numbers<[1], [1], [0], [0], [0, 0, 1, 0], [], []>, transpose_lhs_hint = false} : vector<256x1024xf32>, vector<4096x1024xf32>, vector<256x4096xf32> -> vector<256x4096xf32>
    %slice3A = vector.extract_strided_slice %dot_general3A_5 {offsets = [0, 0], sizes = [256, 2048], strides = [1, 1]} : vector<256x4096xf32> to vector<256x2048xf32>
    %slice3A_6 = vector.extract_strided_slice %dot_general3A_5 {offsets = [0, 2048], sizes = [256, 2048], strides = [1, 1]} : vector<256x4096xf32> to vector<256x2048xf32>
    %logistic3A = arith.negf %slice3A : vector<256x2048xf32>
    %logistic3A_7 = math.exp %logistic3A : vector<256x2048xf32>
    %logistic3A_8 = arith.constant 1.000000e+00 : f32
    %logistic3A_9 = vector.broadcast %logistic3A_8 : f32 to vector<256x2048xf32>
    %logistic3A_10 = arith.addf %logistic3A_9, %logistic3A_7 : vector<256x2048xf32>
    %logistic3A_11 = arith.divf %logistic3A_9, %logistic3A_10 : vector<256x2048xf32>
    %mul3A = arith.mulf %slice3A, %logistic3A_11 : vector<256x2048xf32>
    %mul3A_12 = arith.mulf %mul3A, %slice3A_6 : vector<256x2048xf32>
    %get3A_13 = arith.constant 0 : index
    %get3A_14 = arith.constant 0 : index
    %get3A_15 = vector.load %arg3[%get3A_13, %get3A_14] : memref<1024x2048xf32, #tpu.memory_space<vmem>>, vector<1024x2048xf32>
    %dot_general3A_16 = arith.constant dense<0.000000e+00> : vector<256x1024xf32>
    %dot_general3A_17 = tpu.matmul %mul3A_12, %get3A_15, %dot_general3A_16 {dimension_numbers = #tpu.dot_dimension_numbers<[1], [1], [0], [0], [0, 0, 1, 0], [], []>, transpose_lhs_hint = false} : vector<256x2048xf32>, vector<1024x2048xf32>, vector<256x1024xf32> -> vector<256x1024xf32>
    %get3A_18 = arith.constant 0 : index
    %get3A_19 = arith.constant 0 : index
    %get3A_20 = vector.load %arg4[%get3A_18, %get3A_19] : memref<1x1024xf32, #tpu.memory_space<vmem>>, vector<1x1024xf32>
    %dot_general3A_21 = arith.constant dense<0.000000e+00> : vector<256x1xf32>
    %dot_general3A_22 = tpu.matmul %get3A_1, %get3A_20, %dot_general3A_21 {dimension_numbers = #tpu.dot_dimension_numbers<[1], [1], [0], [0], [0, 0, 1, 0], [], []>, transpose_lhs_hint = false} : vector<256x1024xf32>, vector<1x1024xf32>, vector<256x1xf32> -> vector<256x1xf32>
    %logistic3A_23 = arith.negf %dot_general3A_22 : vector<256x1xf32>
    %logistic3A_24 = math.exp %logistic3A_23 : vector<256x1xf32>
    %logistic3A_25 = arith.constant 1.000000e+00 : f32
    %logistic3A_26 = vector.broadcast %logistic3A_25 : f32 to vector<256x1xf32>
    %logistic3A_27 = arith.addf %logistic3A_26, %logistic3A_24 : vector<256x1xf32>
    %logistic3A_28 = arith.divf %logistic3A_26, %logistic3A_27 : vector<256x1xf32>
    %mul3A_29 = vector.broadcast %logistic3A_28 : vector<256x1xf32> to vector<256x1024xf32>
    %mul3A_30 = arith.mulf %mul3A_29, %dot_general3A_17 : vector<256x1024xf32>
    %swap3A = arith.constant 0 : index
    %swap3A_31 = arith.constant 0 : index
    %swap3A_32 = vector.load %arg5[%swap3A, %swap3A_31] : memref<256x1024xf32, #tpu.memory_space<vmem>>, vector<256x1024xf32>
    tpu.vector_store %arg5[%swap3A, %swap3A_31], %mul3A_30 {strides = array<i32>} : memref<256x1024xf32, #tpu.memory_space<vmem>>, vector<256x1024xf32>,
    return
  }
  func.func @transform_0(%arg0: i32) -> (i32, i32) {
    %add3A = arith.constant 0 : i32
    %add3A_0 = arith.addi %arg0, %add3A : i32
    %c0_i32 = arith.constant 0 : i32
    %c0_i32_1 = arith.constant 0 : i32
    return %add3A_0, %c0_i32 : i32, i32
  }
  func.func @transform_1(%arg0: i32) -> (i32, i32) {
    %c0_i32 = arith.constant 0 : i32
    %c0_i32_0 = arith.constant 0 : i32
    %c0_i32_1 = arith.constant 0 : i32
    return %c0_i32, %c0_i32_0 : i32, i32
  }
  func.func @transform_2(%arg0: i32) -> (i32, i32) {
    %c0_i32 = arith.constant 0 : i32
    %c0_i32_0 = arith.constant 0 : i32
    %c0_i32_1 = arith.constant 0 : i32
    return %c0_i32, %c0_i32_0 : i32, i32
  }
  func.func @transform_3(%arg0: i32) -> (i32, i32) {
    %c0_i32 = arith.constant 0 : i32
    %c0_i32_0 = arith.constant 0 : i32
    %c0_i32_1 = arith.constant 0 : i32
    return %c0_i32, %c0_i32_0 : i32, i32
  }
  func.func @transform_4(%arg0: i32) -> (i32, i32) {
    %c0_i32 = arith.constant 0 : i32
    %c0_i32_0 = arith.constant 0 : i32
    return %arg0, %c0_i32 : i32, i32
  }
}

module attributes {stable_mosaic.version = 14 : i64} {
  func.func @_shared_body(%arg0: i32, %arg1: memref<256x1024xf32, #tpu.memory_space<vmem>>, %arg2: memref<4096x1024xf32, #tpu.memory_space<vmem>>, %arg3: memref<1024x2048xf32, #tpu.memory_space<vmem>>, %arg4: memref<1x1024xf32, #tpu.memory_space<vmem>>, %arg5: memref<256x1024xf32, #tpu.memory_space<vmem>>) attributes {dimension_semantics = [#tpu.dimension_semantics<arbitrary>], iteration_bounds = array<i64: 8>, scalar_prefetch = 0 : i64, scratch_operands = 0 : i64, tpu.core_type = #tpu.core_type<tc>, window_params = [{transform_indices = @transform_0, window_bounds = array<i64: 256, 1024>}, {pipeline_mode = #tpu.pipeline_mode<synchronous>, transform_indices = @transform_1, window_bounds = array<i64: 4096, 1024>}, {pipeline_mode = #tpu.pipeline_mode<synchronous>, transform_indices = @transform_2, window_bounds = array<i64: 1024, 2048>}, {pipeline_mode = #tpu.pipeline_mode<synchronous>, transform_indices = @transform_3, window_bounds = array<i64: 1, 1024>}, {transform_indices = @transform_4, window_bounds = array<i64: 256, 1024>}]} {
    %get3A = arith.constant 0 : index
    %get3A_0 = arith.constant 0 : index
    %get3A_1 = vector.load %arg1[%get3A, %get3A_0] : memref<256x1024xf32, #tpu.memory_space<vmem>>, vector<256x1024xf32>
    %get3A_2 = arith.constant 0 : index
    %get3A_3 = arith.constant 0 : index
    %get3A_4 = vector.load %arg2[%get3A_2, %get3A_3] : memref<4096x1024xf32, #tpu.memory_space<vmem>>, vector<4096x1024xf32>
    %dot_general3A = arith.constant dense<0.000000e+00> : vector<256x4096xf32>
    %dot_general3A_5 = tpu.matmul %get3A_1, %get3A_4, %dot_general3A {dimension_numbers = #tpu.dot_dimension_numbers<[1], [1], [0], [0], [0, 0, 1, 0], [], []>, transpose_lhs_hint = false} : vector<256x1024xf32>, vector<4096x1024xf32>, vector<256x4096xf32> -> vector<256x4096xf32>
    %slice3A = vector.extract_strided_slice %dot_general3A_5 {offsets = [0, 0], sizes = [256, 2048], strides = [1, 1]} : vector<256x4096xf32> to vector<256x2048xf32>
    %slice3A_6 = vector.extract_strided_slice %dot_general3A_5 {offsets = [0, 2048], sizes = [256, 2048], strides = [1, 1]} : vector<256x4096xf32> to vector<256x2048xf32>
    %logistic3A = arith.negf %slice3A : vector<256x2048xf32>
    %logistic3A_7 = math.exp %logistic3A : vector<256x2048xf32>
    %logistic3A_8 = arith.constant 1.000000e+00 : f32
    %logistic3A_9 = vector.broadcast %logistic3A_8 : f32 to vector<256x2048xf32>
    %logistic3A_10 = arith.addf %logistic3A_9, %logistic3A_7 : vector<256x2048xf32>
    %logistic3A_11 = arith.divf %logistic3A_9, %logistic3A_10 : vector<256x2048xf32>
    %mul3A = arith.mulf %slice3A, %logistic3A_11 : vector<256x2048xf32>
    %mul3A_12 = arith.mulf %mul3A, %slice3A_6 : vector<256x2048xf32>
    %get3A_13 = arith.constant 0 : index
    %get3A_14 = arith.constant 0 : index
    %get3A_15 = vector.load %arg3[%get3A_13, %get3A_14] : memref<1024x2048xf32, #tpu.memory_space<vmem>>, vector<1024x2048xf32>
    %dot_general3A_16 = arith.constant dense<0.000000e+00> : vector<256x1024xf32>
    %dot_general3A_17 = tpu.matmul %mul3A_12, %get3A_15, %dot_general3A_16 {dimension_numbers = #tpu.dot_dimension_numbers<[1], [1], [0], [0], [0, 0, 1, 0], [], []>, transpose_lhs_hint = false} : vector<256x2048xf32>, vector<1024x2048xf32>, vector<256x1024xf32> -> vector<256x1024xf32>
    %get3A_18 = arith.constant 0 : index
    %get3A_19 = arith.constant 0 : index
    %get3A_20 = vector.load %arg4[%get3A_18, %get3A_19] : memref<1x1024xf32, #tpu.memory_space<vmem>>, vector<1x1024xf32>
    %dot_general3A_21 = arith.constant dense<0.000000e+00> : vector<256x1xf32>
    %dot_general3A_22 = tpu.matmul %get3A_1, %get3A_20, %dot_general3A_21 {dimension_numbers = #tpu.dot_dimension_numbers<[1], [1], [0], [0], [0, 0, 1, 0], [], []>, transpose_lhs_hint = false} : vector<256x1024xf32>, vector<1x1024xf32>, vector<256x1xf32> -> vector<256x1xf32>
    %logistic3A_23 = arith.negf %dot_general3A_22 : vector<256x1xf32>
    %logistic3A_24 = math.exp %logistic3A_23 : vector<256x1xf32>
    %logistic3A_25 = arith.constant 1.000000e+00 : f32
    %logistic3A_26 = vector.broadcast %logistic3A_25 : f32 to vector<256x1xf32>
    %logistic3A_27 = arith.addf %logistic3A_26, %logistic3A_24 : vector<256x1xf32>
    %logistic3A_28 = arith.divf %logistic3A_26, %logistic3A_27 : vector<256x1xf32>
    %mul3A_29 = vector.broadcast %logistic3A_28 : vector<256x1xf32> to vector<256x1024xf32>
    %mul3A_30 = arith.mulf %mul3A_29, %dot_general3A_17 : vector<256x1024xf32>
    %swap3A = arith.constant 0 : index
    %swap3A_31 = arith.constant 0 : index
    %swap3A_32 = vector.load %arg5[%swap3A, %swap3A_31] : memref<256x1024xf32, #tpu.memory_space<vmem>>, vector<256x1024xf32>
    tpu.vector_store %arg5[%swap3A, %swap3A_31], %mul3A_30 {strides = array<i32>} : memref<256x1024xf32, #tpu.memory_space<vmem>>, vector<256x1024xf32>,
    return
  }
  func.func @transform_0(%arg0: i32) -> (i32, i32) {
    %add3A = arith.constant 8 : i32
    %add3A_0 = arith.addi %arg0, %add3A : i32
    %c0_i32 = arith.constant 0 : i32
    %c0_i32_1 = arith.constant 0 : i32
    return %add3A_0, %c0_i32 : i32, i32
  }
  func.func @transform_1(%arg0: i32) -> (i32, i32) {
    %c0_i32 = arith.constant 0 : i32
    %c0_i32_0 = arith.constant 0 : i32
    %c0_i32_1 = arith.constant 0 : i32
    return %c0_i32, %c0_i32_0 : i32, i32
  }
  func.func @transform_2(%arg0: i32) -> (i32, i32) {
    %c0_i32 = arith.constant 0 : i32
    %c0_i32_0 = arith.constant 0 : i32
    %c0_i32_1 = arith.constant 0 : i32
    return %c0_i32, %c0_i32_0 : i32, i32
  }
  func.func @transform_3(%arg0: i32) -> (i32, i32) {
    %c0_i32 = arith.constant 0 : i32
    %c0_i32_0 = arith.constant 0 : i32
    %c0_i32_1 = arith.constant 0 : i32
    return %c0_i32, %c0_i32_0 : i32, i32
  }
  func.func @transform_4(%arg0: i32) -> (i32, i32) {
    %c0_i32 = arith.constant 0 : i32
    %c0_i32_0 = arith.constant 0 : i32
    return %arg0, %c0_i32 : i32, i32
  }
}

module attributes {stable_mosaic.version = 14 : i64} {
  func.func @_combine_body(%arg0: i32, %arg1: memref<256x1024xf32, #tpu.memory_space<vmem>>, %arg2: memref<256x1024xf32, #tpu.memory_space<vmem>>, %arg3: memref<256x2xf32, #tpu.memory_space<vmem>>, %arg4: memref<256x1024xf32, #tpu.memory_space<vmem>>, %arg5: memref<256x1024xf32, #tpu.memory_space<vmem>>, %arg6: memref<256x1024xf32, #tpu.memory_space<vmem>>) attributes {dimension_semantics = [#tpu.dimension_semantics<arbitrary>], iteration_bounds = array<i64: 16>, scalar_prefetch = 0 : i64, scratch_operands = 0 : i64, tpu.core_type = #tpu.core_type<tc>, window_params = [{transform_indices = @transform_0, window_bounds = array<i64: 256, 1024>}, {transform_indices = @transform_1, window_bounds = array<i64: 256, 1024>}, {transform_indices = @transform_2, window_bounds = array<i64: 256, 2>}, {transform_indices = @transform_3, window_bounds = array<i64: 256, 1024>}, {transform_indices = @transform_4, window_bounds = array<i64: 256, 1024>}, {transform_indices = @transform_5, window_bounds = array<i64: 256, 1024>}]} {
    %get3A = arith.constant 0 : index
    %get3A_0 = arith.constant 0 : index
    %get3A_1 = vector.load %arg3[%get3A, %get3A_0] : memref<256x2xf32, #tpu.memory_space<vmem>>, vector<256x2xf32>
    %lt3A = arith.constant 8 : i32
    %lt3A_2 = arith.cmpi slt, %arg0, %lt3A : i32
    %get3A_3 = arith.constant 0 : index
    %get3A_4 = arith.constant 0 : index
    %get3A_5 = vector.load %arg1[%get3A_3, %get3A_4] : memref<256x1024xf32, #tpu.memory_space<vmem>>, vector<256x1024xf32>
    %get3A_6 = arith.constant 0 : index
    %get3A_7 = arith.constant 0 : index
    %get3A_8 = vector.load %arg2[%get3A_6, %get3A_7] : memref<256x1024xf32, #tpu.memory_space<vmem>>, vector<256x1024xf32>
    %select_n3A = arith.select %lt3A_2, %get3A_5, %get3A_8 : vector<256x1024xf32>
    %slice3A = vector.extract_strided_slice %get3A_1 {offsets = [0, 0], sizes = [256, 1], strides = [1, 1]} : vector<256x2xf32> to vector<256x1xf32>
    %get3A_9 = arith.constant 0 : index
    %get3A_10 = arith.constant 0 : index
    %get3A_11 = vector.load %arg4[%get3A_9, %get3A_10] : memref<256x1024xf32, #tpu.memory_space<vmem>>, vector<256x1024xf32>
    %mul3A = vector.broadcast %slice3A : vector<256x1xf32> to vector<256x1024xf32>
    %mul3A_12 = arith.mulf %mul3A, %get3A_11 : vector<256x1024xf32>
    %add3A = arith.addf %select_n3A, %mul3A_12 : vector<256x1024xf32>
    %slice3A_13 = vector.extract_strided_slice %get3A_1 {offsets = [0, 1], sizes = [256, 1], strides = [1, 1]} : vector<256x2xf32> to vector<256x1xf32>
    %get3A_14 = arith.constant 0 : index
    %get3A_15 = arith.constant 0 : index
    %get3A_16 = vector.load %arg5[%get3A_14, %get3A_15] : memref<256x1024xf32, #tpu.memory_space<vmem>>, vector<256x1024xf32>
    %mul3A_17 = vector.broadcast %slice3A_13 : vector<256x1xf32> to vector<256x1024xf32>
    %mul3A_18 = arith.mulf %mul3A_17, %get3A_16 : vector<256x1024xf32>
    %add3A_19 = arith.addf %add3A, %mul3A_18 : vector<256x1024xf32>
    %swap3A = arith.constant 0 : index
    %swap3A_20 = arith.constant 0 : index
    %swap3A_21 = vector.load %arg6[%swap3A, %swap3A_20] : memref<256x1024xf32, #tpu.memory_space<vmem>>, vector<256x1024xf32>
    tpu.vector_store %arg6[%swap3A, %swap3A_20], %add3A_19 {strides = array<i32>} : memref<256x1024xf32, #tpu.memory_space<vmem>>, vector<256x1024xf32>,
    return
  }
  func.func @transform_0(%arg0: i32) -> (i32, i32) {
    %min3A = arith.constant 7 : i32
    %min3A_0 = arith.minsi %arg0, %min3A : i32
    %c0_i32 = arith.constant 0 : i32
    %c0_i32_1 = arith.constant 0 : i32
    return %min3A_0, %c0_i32 : i32, i32
  }
  func.func @transform_1(%arg0: i32) -> (i32, i32) {
    %sub3A = arith.constant 8 : i32
    %sub3A_0 = arith.subi %arg0, %sub3A : i32
    %max3A = arith.constant 0 : i32
    %max3A_1 = arith.maxsi %sub3A_0, %max3A : i32
    %c0_i32 = arith.constant 0 : i32
    %c0_i32_2 = arith.constant 0 : i32
    return %max3A_1, %c0_i32 : i32, i32
  }
  func.func @transform_2(%arg0: i32) -> (i32, i32) {
    %c0_i32 = arith.constant 0 : i32
    %c0_i32_0 = arith.constant 0 : i32
    return %arg0, %c0_i32 : i32, i32
  }
  func.func @transform_3(%arg0: i32) -> (i32, i32) {
    %c0_i32 = arith.constant 0 : i32
    %c0_i32_0 = arith.constant 0 : i32
    return %arg0, %c0_i32 : i32, i32
  }
  func.func @transform_4(%arg0: i32) -> (i32, i32) {
    %c0_i32 = arith.constant 0 : i32
    %c0_i32_0 = arith.constant 0 : i32
    return %arg0, %c0_i32 : i32, i32
  }
  func.func @transform_5(%arg0: i32) -> (i32, i32) {
    %c0_i32 = arith.constant 0 : i32
    %c0_i32_0 = arith.constant 0 : i32
    return %arg0, %c0_i32 : i32, i32
  }
}

</mosaic_0001>

<sc_bundles>
// kernel: kernel.10.cloned.1.call-start
scs
__scs_entry_jumppad:
0x0: {  	(pc) =	sbr.rel $0x88, $3  }
0x1: {  	(tag) =	ssettag $0x0;
	lr =	simm.s32 $0x1  }
0x2: {  	[smem:$0x3F9A] =	sst lr;
	_ =	strace $0xD0000000  }
0x3: {  	_ = 	snop  }
0x4: {  	_ = 	snop  }
0x5: {  	_ = 	snop  }
0x6: {  	_ = 	snop  }
0x7: {  	_ = 	snop  }
__scs_overlays_trampoline_lowered:
0x8: {  	[smem:$0x3FA9] =	sst s0  }
0x9: {  	[smem:$0x3FAA] =	sst s1  }
0xa: {  	[smem:$0x3FAB] =	sst s2  }
0xb: {  	[smem:$0x3FAC] =	sst s3  }
0xc: {  	[smem:$0x3FAD] =	sst s4  }
0xd: {  	[smem:$0x3FAE] =	sst s5  }
0xe: {  	[smem:$0x3FAF] =	sst s6  }
0xf: {  	[smem:$0x3FB0] =	sst s7  }
0x10: {  	[smem:$0x3FB1] =	sst s8  }
0x11: {  	[smem:$0x3FB2] =	sst s9;
	s0 =	simm.s32 @!p0 $0x0  }
0x12: {  	s1 =	sld [smem:$0x3F98];
	s0 =	simm.s32 @p0 $0x1  }
0x13: {  	[smem:$0x3FB3] =	sst s0;
	s0 =	simm.s32 @!p1 $0x0  }
0x14: {  	s2 =	sld [smem:$0x3F97];
	s0 =	simm.s32 @p1 $0x1  }
0x15: {  	[smem:$0x3FB4] =	sst s0;
	s0 =	simm.s32 @!p2 $0x0  }
0x16: {  	s3 =	sld [smem:$0x3FDB];
	s0 =	simm.s32 @p2 $0x1  }
0x17: {  	s4 =	simm.s32 $0x1BF5;
	[smem:$0x3FB6] =	sst s0  }
0x18: {  	s0 =	sld [smem:$0x3F99];
	_ =	swait.ge [sflag:s4], $0x0  }
0x19: {  	s7 =	sld [smem:$0x3F9A]  }
0x1a: {  	s8 =	sadd.s32 $0xFFFFE003, lr  }
0x1b: {  	s9 =	sadd.s32 $0xFFFFFEF7, lr;
	s5 =	simm.s32 $0xFFFFFFFF;
	p2 =	slt.u32 s8, $0xFFFFF086  }
0x1c: {  	p1 =	slt.u32 s9, $0xF7A;
	s5 =	simm.s32 @!p2 $0x0  }
0x1d: {  	s5 =	simm.s32 @p1 $0x1;
	p0 =	seq.s32 s7, s2  }
0x1e: {  	s7 =	smul.u32 @!p0 $0xF7A, s2;
	p2 =	seq.s32 @!p0 s5, $0x0  }
0x1f: {  	s9 =	smul.u32 $0xF7A, s1;
	s8 =	simm.s32 @!p0 $0x1BF5;
	p2 =	por !p2, p0  }
0x20: {  	[sflag:s8] =	ssyncset.s32 @!p0 $0xFFFFF086;
	s6 =	sadd.s32 @!p0 s3, s7;
	s7 =	simm.s32 @!p0 $0x108  }
0x21: {  	s3 =	sadd.s32 s3, s9;
	s6 =	sadd.s32 @!p0 $0x88, s6;
	s7 =	simm.s32 @p2 $0x1082  }
0x22: {  	[simem:s7], [sflag:s8] =	dma.local @!p0 [hbm:s6], $0xF7A  }
0x23: {  	s9 =	sor.u32 $0xD0000000, s2;
	s6 =	simm.s32 $0x108;
	_ =	swait.ge @!p0 [sflag:s8], $0x0  }
0x24: {  	s3 =	sadd.s32 $0x88, s3;
	s6 =	simm.s32 @!p1 $0x1082;
	[sflag:s4] =	ssyncset.s32 $0xFFFFF086  }
0x25: {  	[simem:s6], [sflag:s4] =	dma.local [hbm:s3], $0xF7A  }
0x26: {  	[smem:$0x3F9A] =	sst s1;
	(tag) =	ssettag s2;
	_ =	strace s9  }
0x27: {  	s1 =	sld [smem:$0x3FAA]  }
0x28: {  	s2 =	sld [smem:$0x3FAB]  }
0x29: {  	s4 =	sld [smem:$0x3FAD]  }
0x2a: {  	p0 =	seq.s32 s5, $0x0;
	s5 =	sld [smem:$0x3FAE]  }
0x2b: {  	s6 =	sld [smem:$0x3FAF]  }
0x2c: {  	s7 =	sld [smem:$0x3FB0]  }
0x2d: {  	s3 =	simm.s32 $0x108;
	s8 =	sld [smem:$0x3FB1]  }
0x2e: {  	s3 =	simm.s32 @!p0 $0x1082;
	s9 =	sld [smem:$0x3FB2]  }
0x2f: {  	lr =	sadd.s32 s0, s3;
	s0 =	sld [smem:$0x3FA9]  }
0x30: {  	s3 =	sld [smem:$0x3FAC]  }
0x31: {  	[smem:$0x3FB5] =	sst s10  }
0x32: {  	s10 =	sld [smem:$0x3FB3];
	_ =	sdelay $0x3  }
0x33: {  	p0 =	seq.s32 s10, $0x1;
	s10 =	sld [smem:$0x3FB5];
	_ =	sdelay $0x3  }
0x34: {  	[smem:$0x3FB5] =	sst s10  }
0x35: {  	s10 =	sld [smem:$0x3FB4];
	_ =	sdelay $0x3  }
0x36: {  	p1 =	seq.s32 s10, $0x1;
	s10 =	sld [smem:$0x3FB5];
	_ =	sdelay $0x3  }
0x37: {  	[smem:$0x3FB5] =	sst s10  }
0x38: {  	s10 =	sld [smem:$0x3FB6]  }
0x39: {  	_ = 	snop;
	(pc) =	sbr.ind lr, $3  }
0x3a: {  	_ = 	snop  }
0x3b: {  	_ = 	snop  }
0x3c: {  	p2 =	seq.s32 s10, $0x1;
	s10 =	sld [smem:$0x3FB5]  }
0x3d: {  	_ =	shalt  }
0x3e: {  	_ =	shalt  }
0x3f: {  	_ =	shalt  }
0x40: {  	_ =	shalt  }
0x41: {  	_ =	shalt  }
0x42: {  	_ =	shalt  }
0x43: {  	_ =	shalt  }
0x44: {  	_ =	shalt  }
0x45: {  	_ =	shalt  }
0x46: {  	_ =	shalt  }
0x47: {  	_ =	shalt  }
0x48: {  	_ =	shalt  }
0x49: {  	_ =	shalt  }
0x4a: {  	_ =	shalt  }
0x4b: {  	_ =	shalt  }
0x4c: {  	_ =	shalt  }
0x4d: {  	_ =	shalt  }
0x4e: {  	_ =	shalt  }
0x4f: {  	_ =	shalt  }
0x50: {  	_ =	shalt  }
0x51: {  	_ =	shalt  }
0x52: {  	_ =	shalt  }
0x53: {  	_ =	shalt  }
0x54: {  	_ =	shalt  }
0x55: {  	_ =	shalt  }
0x56: {  	_ =	shalt  }
0x57: {  	_ =	shalt  }
0x58: {  	_ =	shalt  }
0x59: {  	_ =	shalt  }
0x5a: {  	_ =	shalt  }
0x5b: {  	_ =	shalt  }
0x5c: {  	_ =	shalt  }
0x5d: {  	_ =	shalt  }
0x5e: {  	_ =	shalt  }
0x5f: {  	_ =	shalt  }
0x60: {  	_ =	shalt  }
0x61: {  	_ =	shalt  }
0x62: {  	_ =	shalt  }
0x63: {  	_ =	shalt  }
0x64: {  	_ =	shalt  }
0x65: {  	_ =	shalt  }
0x66: {  	_ =	shalt  }
0x67: {  	_ =	shalt  }
0x68: {  	_ =	shalt  }
0x69: {  	_ =	shalt  }
0x6a: {  	_ =	shalt  }
0x6b: {  	_ =	shalt  }
0x6c: {  	_ =	shalt  }
0x6d: {  	_ =	shalt  }
0x6e: {  	_ =	shalt  }
0x6f: {  	_ =	shalt  }
0x70: {  	_ =	shalt  }
0x71: {  	_ =	shalt  }
0x72: {  	_ =	shalt  }
0x73: {  	_ =	shalt  }
0x74: {  	_ =	shalt  }
0x75: {  	_ =	shalt  }
0x76: {  	_ =	shalt  }
0x77: {  	_ =	shalt  }
0x78: {  	_ =	shalt  }
0x79: {  	_ =	shalt  }
0x7a: {  	_ =	shalt  }
0x7b: {  	_ =	shalt  }
0x7c: {  	_ =	shalt  }
0x7d: {  	_ =	shalt  }
0x7e: {  	_ =	shalt  }
0x7f: {  	_ =	shalt  }
0x80: {  	_ =	shalt  }
0x81: {  	_ =	shalt  }
0x82: {  	_ =	shalt  }
0x83: {  	_ =	shalt  }
0x84: {  	_ =	shalt  }
0x85: {  	_ =	shalt  }
0x86: {  	_ =	shalt  }
0x87: {  	_ =	shalt  }
.Lfunc_end0:
.L_simem_size_0:
called_computation_lowered:
.L_overlay_start_0:
0x88: {  	s2 =	sld [smem:$0x3FD9]  }
0x89: {  	s3 =	sld [smem:$0x3FFE];
	_ =	sdelay $0x1  }
0x8a: {  	s1 =	srdreg.scid  }
0x8b: {  	s0 =	sand.u32 $0x1, s1  }
0x8c: {  	s17 =	sshll.u32 s0, $0xA;
	s2 =	sadd.s32 s3, s2  }
0x8d: {  	s2 =	sadd.s32 s2, s17  }
0x8e: {  	[smem:$0x3FC1] =	sst s2  }
0x8f: {  	_ = 	snop  }
0x90: {  	s2 =	sld [smem:$0x3FC9];
	(tm) =	ssettm $0x1  }
0x91: {  	s18 =	sld [smem:$0x3FFB];
	_ =	sdelay $0x3  }
0x92: {  	_ =	strace s18  }
0x93: {  	s3 =	sld [smem:$0x3FFC];
	_ =	sdelay $0x3  }
0x94: {  	_ =	strace s3  }
0x95: {  	s3 =	sld [smem:$0x3FFD];
	_ =	sdelay $0x3  }
0x96: {  	_ =	strace s3  }
0x97: {  	_ =	strace $0x8FFFFFFF  }
0x98: {  	s19 =	sld [smem:$0x3FDB];
	_ =	sdelay $0x1  }
0x99: {  	s4 =	simm.s32 $_scs_section_size  }
0x9a: {  	s5 =	simm.s32 $_size__tile_overlayer_lowered;
	s6 =	simm.s32 $_tile_overlayer_lowered  }
0x9b: {  	s22 =	simm.s32 $0x1BFF;
	s21 =	sshll.u32 s6, $0x1;
	s3 =	sadd.s32 s4, s19  }
0x9c: {  	s7 =	simm.s32 $0x0;
	s20 =	sshll.u32 s5, $0x1;
	s5 =	sadd.s32 s21, s3  }
0x9d: {  	[timem:s7], [sflag:s22] =	dma.local [hbm:s5], s20  }
0x9e: {  	_ =	swait.ge [sflag:s22], s20  }
0x9f: {  	s4 =	ssub.s32 $0x0, s20;
	[sflag:s22] =	ssyncset.done $0x0  }
0xa0: {  	[sflag:s22] =	ssyncadd.s32 s4;
	_ =	sdelay $0x1  }
0xa1: {  	s23 =	simm.s32 $0x1B8B  }
0xa2: {  	_ =	swait.ge [sflag:s23], $0x1  }
0xa3: {  	[sflag:s23] =	ssyncset.done $0x0  }
0xa4: {  	s25 =	simm.s32 $0x1B8E;
	s24 =	sld [smem:$0x3FFE];
	[sflag:s23] =	ssyncadd.s32 $0xFFFFFFFF  }
0xa5: {  	s26 =	simm.s32 $execute0_lowered;
	[smem:$0x3FD2] =	sst s25  }
0xa6: {  	s5 =	sshll.u32 s26, $0x1;
	_ =	strace $0x80000046;
	[dreg:$0x1] =	wrdreg $0xFFFFFFFF  }
0xa7: {  	s28 =	simm.s32 $_size_execute0_lowered;
	s3 =	sadd.s32 s3, s5;
	[dreg:$0x0] =	wrdreg $0x0  }
0xa8: {  	s5 =	sshll.u32 s28, $0x1;
	[dreg:$0x2] =	wrdreg s3  }
0xa9: {  	[dreg:$0x3] =	wrdreg s5  }
0xaa: {  	[dreg:$0x4] =	wrdreg $0xC0  }
0xab: {  	_ =	task [dreg:s7], $0x5FFFF  }
0xac: {  	[dreg:$0x1] =	wrdreg $0xFFFFFFFF  }
0xad: {  	[dreg:$0x0] =	wrdreg $0x60  }
0xae: {  	[dreg:$0x2] =	wrdreg s2  }
0xaf: {  	[dreg:$0x3] =	wrdreg s24  }
0xb0: {  	[dreg:$0x4] =	wrdreg $0x9  }
0xb1: {  	_ =	task.clear_ibuf [dreg:s7], $0x5FFFF;
	_ =	strace $0x90000046  }
0xb2: {  	s29 =	simm.s32 $0x9;
	_ =	strace $0x80000048  }
0xb3: {  	_ =	swait.ge [sflag:s29], $0x1  }
0xb4: {  	[sflag:s29] =	ssyncadd.s32 $0xFFFFFFFF  }
0xb5: {  	_ =	strace $0x90000048  }
0xb6: {  	_ =	sfence  }
0xb7: {  	s30 =	sld [smem:$0x0];
	_ =	sdelay $0x2  }
0xb8: {  	s31 =	sshll.u32 s1, $0xD;
	s1 =	sshrl.u32 s1, $0x2  }
0xb9: {  	s3 =	sand.u32 $0x4000, s31;
	s1 =	sadd.s32 s1, s30  }
0xba: {  	s0 =	sor.u32 s3, s0;
	s1 =	sshll.u32 s1, $0x11  }
0xbb: {  	s0 =	sor.u32 s1, s0  }
0xbc: {  	s0 =	sadd.s32 $0x8F2B, s0  }
0xbd: {  	[sflag:s0] =	ssyncadd.remote.s32 $0x1  }
0xbe: {  	_ =	sfence.sel $0xFFFF  }
0xbf: {  	[dreg:$0x0] =	wrdreg $0xFFFFFFFF;
	(pc) =	sbr.abs _section_cstart, $3  }
0xc0: {  	[dreg:$0x1] =	wrdreg $0xFFFFFFFF  }
0xc1: {  	_ =	task.clear_ibuf [dreg:s7], $0x2FFFF;
	_ =	strace $0x9FFFFFFF  }
0xc2: {  	(tm) =	ssettm $0x7FFFFFFF  }
0xc3: {  	_ =	shalt  }
tec
execute0_lowered:
.L_overlay_start_1:
0x0: {  	(tag) =	ssettag $0x1  }
0x1: {  	s0 =	rddreg [dreg:$0x0]  }
0x2: {  	s1 =	rddreg [dreg:$0x1]  }
0x3: {  	s2 =	srdreg.scid;
	s4 =	stileid.u32  }
0x4: {  	s19 =	simm.s32 $0x1;
	s3 =	sand.u32 $0x1, s2;
	s2 =	simm.s32 $0x0  }
0x5: {  	s4 =	sshll.u32 s4, $0x8;
	s25 =	sadd.s32 $0x12E00, s1;
	s7 =	sadd.s32 $0x13000, s1  }
0x6: {  	s5 =	sshll.u32 s3, $0x7;
	[smem:$0x7FF] =	sst s2;
	s8 =	ssub.s32 $0x2, s3  }
0x7: {  	s3 =	sadd.s32 $0x13200, s1;
	s4 =	sor.u32 s5, s4;
	_ =	strace $0x80000047  }
0x8: {  	s10 =	sshrl.u32 s8, $0x1;
	s6 =	sshrl.u32 s4, $0x3;
	s26 =	sshll.u32 s4, $0x7  }
0x9: {  	s4 =	sor.u32 $0x40, s4;
	s8 =	ssub.s32 s8, s10;
	s9 =	sadd.s32 s25, s6  }
0xa: {  	s6 =	sadd.s32 s7, s6;
	s28 =	sadd.s32 s0, s26;
	[dreg:$0x3] =	wrdreg s9  }
0xb: {  	s29 =	sshrl.u32 s4, $0x3;
	s31 =	sshll.u32 s4, $0x7;
	[dreg:$0x4] =	wrdreg s6  }
0xc: {  	s4 =	sadd.s32 $0x13300, s1;
	[dreg:$0x5] =	wrdreg s28;
	s5 =	sadd.s32 s25, s29  }
0xd: {  	v2 =	vlaneseq.u32;
	s30 =	sadd.s32 s7, s29;
	s0 =	sadd.s32 s0, s31;
	[dreg:$0x6] =	wrdreg s5  }
0xe: {  	vm0 =	vmmov $0xffff;
	v1 =	vshrl.u32 v2, $0x3;
	s6 =	sadd.s32 $0x13500, s1;
	s7 =	smax.u32 s8, $0x1;
	[dreg:$0x7] =	wrdreg s30  }
0xf: {  	v0 =	vand.u32 $0x7, v2;
	v2 =	vor.u32 $0x8, v2;
	v1 =	vmul.u32 $0x8, v1;
	s8 =	simm.s32 $0x2;
	s5 =	sadd.s32 $0x13400, s1;
	[dreg:$0x8] =	wrdreg s0  }
.LBB2_1:
0x10: {  	s20 =	rddreg [dreg:$0x3]  }
0x11: {  	[tilespmem:s2], [sflag:$0x2] =	stream.linear.gather [hbm4b:s20+s2], $0x40, $0x38;
	[tilespmem:$0x10100] =	vst v63  }
0x12: {  	_ =	swait.ge [sflag:s8], $0x40  }
0x13: {  	[sflag:s8] =	ssyncset.done $0x0  }
0x14: {  	s0 =	simm.s32 $0x80;
	s11 =	rddreg [dreg:$0x4];
	[sflag:s8] =	ssyncadd.s32 $0xFFFFFFC0  }
0x15: {  	[tilespmem:s0], [sflag:$0x2] =	stream.linear.gather [hbm4b:s11+s2], $0x40, $0x38;
	[tilespmem:$0x10100] =	vst v63  }
0x16: {  	_ =	swait.ge [sflag:s8], $0x40  }
0x17: {  	[sflag:s8] =	ssyncset.done $0x0  }
0x18: {  	s21 =	simm.s32 $0x100;
	s12 =	rddreg [dreg:$0x5];
	[sflag:s8] =	ssyncadd.s32 $0xFFFFFFC0  }
0x19: {  	[tilespmem:s21], [sflag:$0x2] =	stream.linear.gather [hbm4b:s12+s2], $0x10000, $0x38;
	[tilespmem:$0x10100] =	vst v63  }
0x1a: {  	_ =	swait.ge [sflag:s8], $0x10000  }
0x1b: {  	[sflag:s8] =	ssyncset.done $0x0  }
0x1c: {  	[sflag:s8] =	ssyncadd.s32 $0xFFFF0000  }
0x1d: {  	v3 =	vld [tilespmem:$0x0];
	_ =	sdelay $0x4  }
0x1e: {  	v4 =	vshll.u32 v3, $0x3  }
0x1f: {  	v3 =	vand.u32 $0x7, v3;
	v4 =	vand.u32 $0xFFFFFFC0, v4  }
0x20: {  	v3 =	vor.u32 v3, v4  }
0x21: {  	v4 =	vperm.xlane v3, v0;
	_ =	sdelay $0x1  }
0x22: {  	v4 =	vadd.s32 v1, v4;
	_ =	sdelay $0x4  }
0x23: {  	[hbm4b:s3+s2] =	stream.indirect_vreg.scatter [tilespmem:s21], [sflag:$0x1], $0x80, v4, vm0, $0xb8;
	[tilespmem:$0x10100] =	vst v63  }
0x24: {  	s13 =	simm.s32 $0x900;
	v3 =	vperm.xlane v3, v2  }
0x25: {  	[hbm4b:s4+s2] =	stream.indirect_vreg.scatter [tilespmem:s13], [sflag:$0x1], $0x80, v4, vm0, $0xb8;
	[tilespmem:$0x10100] =	vst v63  }
0x26: {  	s14 =	simm.s32 $0x1100;
	v3 =	vadd.s32 v1, v3  }
0x27: {  	[hbm4b:s5+s2] =	stream.indirect_vreg.scatter [tilespmem:s14], [sflag:$0x1], $0x80, v4, vm0, $0xb8;
	[tilespmem:$0x10100] =	vst v63  }
0x28: {  	s16 =	simm.s32 $0x1900  }
0x29: {  	[hbm4b:s6+s2] =	stream.indirect_vreg.scatter [tilespmem:s16], [sflag:$0x1], $0x80, v4, vm0, $0xb8;
	[tilespmem:$0x10100] =	vst v63  }
0x2a: {  	s17 =	simm.s32 $0x2100  }
0x2b: {  	[hbm4b:s3+s2] =	stream.indirect_vreg.scatter [tilespmem:s17], [sflag:$0x1], $0x80, v3, vm0, $0xb8;
	[tilespmem:$0x10100] =	vst v63  }
0x2c: {  	s18 =	simm.s32 $0x2900  }
0x2d: {  	[hbm4b:s4+s2] =	stream.indirect_vreg.scatter [tilespmem:s18], [sflag:$0x1], $0x80, v3, vm0, $0xb8;
	[tilespmem:$0x10100] =	vst v63  }
0x2e: {  	s20 =	simm.s32 $0x3100  }
0x2f: {  	[hbm4b:s5+s2] =	stream.indirect_vreg.scatter [tilespmem:s20], [sflag:$0x1], $0x80, v3, vm0, $0xb8;
	[tilespmem:$0x10100] =	vst v63  }
0x30: {  	s22 =	simm.s32 $0x3900  }
0x31: {  	[hbm4b:s6+s2] =	stream.indirect_vreg.scatter [tilespmem:s22], [sflag:$0x1], $0x80, v3, vm0, $0xb8;
	[tilespmem:$0x10100] =	vst v63  }
0x32: {  	v3 =	vld [tilespmem:$0x10];
	_ =	sdelay $0x4  }
0x33: {  	v49 =	vshll.u32 v3, $0x3  }
0x34: {  	v3 =	vand.u32 $0x7, v3;
	v4 =	vand.u32 $0xFFFFFFC0, v49  }
0x35: {  	v3 =	vor.u32 v3, v4  }
0x36: {  	v4 =	vperm.xlane v3, v0;
	_ =	sdelay $0x1  }
0x37: {  	v4 =	vadd.s32 v1, v4;
	_ =	sdelay $0x3  }
0x38: {  	s23 =	simm.s32 $0x4100  }
0x39: {  	[hbm4b:s3+s2] =	stream.indirect_vreg.scatter [tilespmem:s23], [sflag:$0x1], $0x80, v4, vm0, $0xb8;
	[tilespmem:$0x10100] =	vst v63  }
0x3a: {  	s24 =	simm.s32 $0x4900;
	v3 =	vperm.xlane v3, v2  }
0x3b: {  	[hbm4b:s4+s2] =	stream.indirect_vreg.scatter [tilespmem:s24], [sflag:$0x1], $0x80, v4, vm0, $0xb8;
	[tilespmem:$0x10100] =	vst v63  }
0x3c: {  	s25 =	simm.s32 $0x5100;
	v3 =	vadd.s32 v1, v3  }
0x3d: {  	[hbm4b:s5+s2] =	stream.indirect_vreg.scatter [tilespmem:s25], [sflag:$0x1], $0x80, v4, vm0, $0xb8;
	[tilespmem:$0x10100] =	vst v63  }
0x3e: {  	s1 =	simm.s32 $0x5900  }
0x3f: {  	[hbm4b:s6+s2] =	stream.indirect_vreg.scatter [tilespmem:s1], [sflag:$0x1], $0x80, v4, vm0, $0xb8;
	[tilespmem:$0x10100] =	vst v63  }
0x40: {  	s26 =	simm.s32 $0x6100  }
0x41: {  	[hbm4b:s3+s2] =	stream.indirect_vreg.scatter [tilespmem:s26], [sflag:$0x1], $0x80, v3, vm0, $0xb8;
	[tilespmem:$0x10100] =	vst v63  }
0x42: {  	s28 =	simm.s32 $0x6900  }
0x43: {  	[hbm4b:s4+s2] =	stream.indirect_vreg.scatter [tilespmem:s28], [sflag:$0x1], $0x80, v3, vm0, $0xb8;
	[tilespmem:$0x10100] =	vst v63  }
0x44: {  	s29 =	simm.s32 $0x7100  }
0x45: {  	[hbm4b:s5+s2] =	stream.indirect_vreg.scatter [tilespmem:s29], [sflag:$0x1], $0x80, v3, vm0, $0xb8;
	[tilespmem:$0x10100] =	vst v63  }
0x46: {  	s30 =	simm.s32 $0x7900  }
0x47: {  	[hbm4b:s6+s2] =	stream.indirect_vreg.scatter [tilespmem:s30], [sflag:$0x1], $0x80, v3, vm0, $0xb8;
	[tilespmem:$0x10100] =	vst v63  }
0x48: {  	v3 =	vld [tilespmem:$0x20];
	_ =	sdelay $0x4  }
0x49: {  	v50 =	vshll.u32 v3, $0x3  }
0x4a: {  	v3 =	vand.u32 $0x7, v3;
	v4 =	vand.u32 $0xFFFFFFC0, v50  }
0x4b: {  	v3 =	vor.u32 v3, v4  }
0x4c: {  	v4 =	vperm.xlane v3, v0;
	_ =	sdelay $0x1  }
0x4d: {  	v4 =	vadd.s32 v1, v4;
	_ =	sdelay $0x3  }
0x4e: {  	s31 =	simm.s32 $0x8100  }
0x4f: {  	[hbm4b:s3+s2] =	stream.indirect_vreg.scatter [tilespmem:s31], [sflag:$0x1], $0x80, v4, vm0, $0xb8;
	[tilespmem:$0x10100] =	vst v63  }
0x50: {  	s1 =	simm.s32 $0x8900;
	v3 =	vperm.xlane v3, v2  }
0x51: {  	[hbm4b:s4+s2] =	stream.indirect_vreg.scatter [tilespmem:s1], [sflag:$0x1], $0x80, v4, vm0, $0xb8;
	[tilespmem:$0x10100] =	vst v63  }
0x52: {  	s17 =	simm.s32 $0x9100;
	v3 =	vadd.s32 v1, v3  }
0x53: {  	[hbm4b:s5+s2] =	stream.indirect_vreg.scatter [tilespmem:s17], [sflag:$0x1], $0x80, v4, vm0, $0xb8;
	[tilespmem:$0x10100] =	vst v63  }
0x54: {  	s18 =	simm.s32 $0x9900  }
0x55: {  	[hbm4b:s6+s2] =	stream.indirect_vreg.scatter [tilespmem:s18], [sflag:$0x1], $0x80, v4, vm0, $0xb8;
	[tilespmem:$0x10100] =	vst v63  }
0x56: {  	s20 =	simm.s32 $0xA100  }
0x57: {  	[hbm4b:s3+s2] =	stream.indirect_vreg.scatter [tilespmem:s20], [sflag:$0x1], $0x80, v3, vm0, $0xb8;
	[tilespmem:$0x10100] =	vst v63  }
0x58: {  	s22 =	simm.s32 $0xA900  }
0x59: {  	[hbm4b:s4+s2] =	stream.indirect_vreg.scatter [tilespmem:s22], [sflag:$0x1], $0x80, v3, vm0, $0xb8;
	[tilespmem:$0x10100] =	vst v63  }
0x5a: {  	s23 =	simm.s32 $0xB100  }
0x5b: {  	[hbm4b:s5+s2] =	stream.indirect_vreg.scatter [tilespmem:s23], [sflag:$0x1], $0x80, v3, vm0, $0xb8;
	[tilespmem:$0x10100] =	vst v63  }
0x5c: {  	s24 =	simm.s32 $0xB900  }
0x5d: {  	[hbm4b:s6+s2] =	stream.indirect_vreg.scatter [tilespmem:s24], [sflag:$0x1], $0x80, v3, vm0, $0xb8;
	[tilespmem:$0x10100] =	vst v63  }
0x5e: {  	v3 =	vld [tilespmem:$0x30];
	_ =	sdelay $0x4  }
0x5f: {  	v51 =	vshll.u32 v3, $0x3  }
0x60: {  	v3 =	vand.u32 $0x7, v3;
	v4 =	vand.u32 $0xFFFFFFC0, v51  }
0x61: {  	v3 =	vor.u32 v3, v4  }
0x62: {  	v4 =	vperm.xlane v3, v0;
	_ =	sdelay $0x1  }
0x63: {  	v4 =	vadd.s32 v1, v4;
	_ =	sdelay $0x3  }
0x64: {  	s26 =	simm.s32 $0xC100  }
0x65: {  	[hbm4b:s3+s2] =	stream.indirect_vreg.scatter [tilespmem:s26], [sflag:$0x1], $0x80, v4, vm0, $0xb8;
	[tilespmem:$0x10100] =	vst v63  }
0x66: {  	s28 =	simm.s32 $0xC900;
	v3 =	vperm.xlane v3, v2  }
0x67: {  	[hbm4b:s4+s2] =	stream.indirect_vreg.scatter [tilespmem:s28], [sflag:$0x1], $0x80, v4, vm0, $0xb8;
	[tilespmem:$0x10100] =	vst v63  }
0x68: {  	s29 =	simm.s32 $0xD100;
	v3 =	vadd.s32 v1, v3  }
0x69: {  	[hbm4b:s5+s2] =	stream.indirect_vreg.scatter [tilespmem:s29], [sflag:$0x1], $0x80, v4, vm0, $0xb8;
	[tilespmem:$0x10100] =	vst v63  }
0x6a: {  	s30 =	simm.s32 $0xD900  }
0x6b: {  	[hbm4b:s6+s2] =	stream.indirect_vreg.scatter [tilespmem:s30], [sflag:$0x1], $0x80, v4, vm0, $0xb8;
	[tilespmem:$0x10100] =	vst v63  }
0x6c: {  	s0 =	simm.s32 $0xE100  }
0x6d: {  	[hbm4b:s3+s2] =	stream.indirect_vreg.scatter [tilespmem:s0], [sflag:$0x1], $0x80, v3, vm0, $0xb8;
	[tilespmem:$0x10100] =	vst v63  }
0x6e: {  	s1 =	simm.s32 $0xE900  }
0x6f: {  	[hbm4b:s4+s2] =	stream.indirect_vreg.scatter [tilespmem:s1], [sflag:$0x1], $0x80, v3, vm0, $0xb8;
	[tilespmem:$0x10100] =	vst v63  }
0x70: {  	s17 =	simm.s32 $0xF100  }
0x71: {  	[hbm4b:s5+s2] =	stream.indirect_vreg.scatter [tilespmem:s17], [sflag:$0x1], $0x80, v3, vm0, $0xb8;
	[tilespmem:$0x10100] =	vst v63  }
0x72: {  	s18 =	simm.s32 $0xF900  }
0x73: {  	[hbm4b:s6+s2] =	stream.indirect_vreg.scatter [tilespmem:s18], [sflag:$0x1], $0x80, v3, vm0, $0xb8;
	[tilespmem:$0x10100] =	vst v63  }
0x74: {  	_ =	swait.ge [sflag:s19], $0x10000  }
0x75: {  	[sflag:s19] =	ssyncset.done $0x0  }
0x76: {  	[sflag:s19] =	ssyncadd.s32 $0xFFFF0000  }
0x77: {  	v3 =	vld [tilespmem:$0x80];
	_ =	sdelay $0x4  }
0x78: {  	v52 =	vshll.u32 v3, $0x3  }
0x79: {  	v3 =	vand.u32 $0x7, v3;
	v4 =	vand.u32 $0xFFFFFFC0, v52  }
0x7a: {  	v3 =	vor.u32 v3, v4  }
0x7b: {  	v4 =	vperm.xlane v3, v0;
	_ =	sdelay $0x1  }
0x7c: {  	v4 =	vadd.s32 v1, v4;
	_ =	sdelay $0x4  }
0x7d: {  	[hbm4b:s3+s2] =	stream.indirect_vreg.scatter [tilespmem:s21], [sflag:$0x1], $0x80, v4, vm0, $0xb8;
	[tilespmem:$0x10100] =	vst v63  }
0x7e: {  	s15 =	simm.s32 $0x900;
	v3 =	vperm.xlane v3, v2  }
0x7f: {  	[hbm4b:s4+s2] =	stream.indirect_vreg.scatter [tilespmem:s15], [sflag:$0x1], $0x80, v4, vm0, $0xb8;
	[tilespmem:$0x10100] =	vst v63  }
0x80: {  	s10 =	simm.s32 $0x1100;
	v3 =	vadd.s32 v1, v3  }
0x81: {  	[hbm4b:s5+s2] =	stream.indirect_vreg.scatter [tilespmem:s10], [sflag:$0x1], $0x80, v4, vm0, $0xb8;
	[tilespmem:$0x10100] =	vst v63  }
0x82: {  	s11 =	simm.s32 $0x1900  }
0x83: {  	[hbm4b:s6+s2] =	stream.indirect_vreg.scatter [tilespmem:s11], [sflag:$0x1], $0x80, v4, vm0, $0xb8;
	[tilespmem:$0x10100] =	vst v63  }
0x84: {  	s12 =	simm.s32 $0x2100  }
0x85: {  	[hbm4b:s3+s2] =	stream.indirect_vreg.scatter [tilespmem:s12], [sflag:$0x1], $0x80, v3, vm0, $0xb8;
	[tilespmem:$0x10100] =	vst v63  }
0x86: {  	s13 =	simm.s32 $0x2900  }
0x87: {  	[hbm4b:s4+s2] =	stream.indirect_vreg.scatter [tilespmem:s13], [sflag:$0x1], $0x80, v3, vm0, $0xb8;
	[tilespmem:$0x10100] =	vst v63  }
0x88: {  	s14 =	simm.s32 $0x3100  }
0x89: {  	[hbm4b:s5+s2] =	stream.indirect_vreg.scatter [tilespmem:s14], [sflag:$0x1], $0x80, v3, vm0, $0xb8;
	[tilespmem:$0x10100] =	vst v63  }
0x8a: {  	s16 =	simm.s32 $0x3900  }
0x8b: {  	[hbm4b:s6+s2] =	stream.indirect_vreg.scatter [tilespmem:s16], [sflag:$0x1], $0x80, v3, vm0, $0xb8;
	[tilespmem:$0x10100] =	vst v63  }
0x8c: {  	v3 =	vld [tilespmem:$0x90];
	_ =	sdelay $0x4  }
0x8d: {  	v53 =	vshll.u32 v3, $0x3  }
0x8e: {  	v3 =	vand.u32 $0x7, v3;
	v4 =	vand.u32 $0xFFFFFFC0, v53  }
0x8f: {  	v3 =	vor.u32 v3, v4  }
0x90: {  	v4 =	vperm.xlane v3, v0;
	_ =	sdelay $0x1  }
0x91: {  	v4 =	vadd.s32 v1, v4;
	_ =	sdelay $0x3  }
0x92: {  	s17 =	simm.s32 $0x4100  }
0x93: {  	[hbm4b:s3+s2] =	stream.indirect_vreg.scatter [tilespmem:s17], [sflag:$0x1], $0x80, v4, vm0, $0xb8;
	[tilespmem:$0x10100] =	vst v63  }
0x94: {  	s18 =	simm.s32 $0x4900;
	v3 =	vperm.xlane v3, v2  }
0x95: {  	[hbm4b:s4+s2] =	stream.indirect_vreg.scatter [tilespmem:s18], [sflag:$0x1], $0x80, v4, vm0, $0xb8;
	[tilespmem:$0x10100] =	vst v63  }
0x96: {  	s9 =	simm.s32 $0x5100;
	v3 =	vadd.s32 v1, v3  }
0x97: {  	[hbm4b:s5+s2] =	stream.indirect_vreg.scatter [tilespmem:s9], [sflag:$0x1], $0x80, v4, vm0, $0xb8;
	[tilespmem:$0x10100] =	vst v63  }
0x98: {  	s0 =	simm.s32 $0x5900  }
0x99: {  	[hbm4b:s6+s2] =	stream.indirect_vreg.scatter [tilespmem:s0], [sflag:$0x1], $0x80, v4, vm0, $0xb8;
	[tilespmem:$0x10100] =	vst v63  }
0x9a: {  	s1 =	simm.s32 $0x6100  }
0x9b: {  	[hbm4b:s3+s2] =	stream.indirect_vreg.scatter [tilespmem:s1], [sflag:$0x1], $0x80, v3, vm0, $0xb8;
	[tilespmem:$0x10100] =	vst v63  }
0x9c: {  	s9 =	simm.s32 $0x6900  }
0x9d: {  	[hbm4b:s4+s2] =	stream.indirect_vreg.scatter [tilespmem:s9], [sflag:$0x1], $0x80, v3, vm0, $0xb8;
	[tilespmem:$0x10100] =	vst v63  }
0x9e: {  	s10 =	simm.s32 $0x7100  }
0x9f: {  	[hbm4b:s5+s2] =	stream.indirect_vreg.scatter [tilespmem:s10], [sflag:$0x1], $0x80, v3, vm0, $0xb8;
	[tilespmem:$0x10100] =	vst v63  }
0xa0: {  	s14 =	simm.s32 $0x7900  }
0xa1: {  	[hbm4b:s6+s2] =	stream.indirect_vreg.scatter [tilespmem:s14], [sflag:$0x1], $0x80, v3, vm0, $0xb8;
	[tilespmem:$0x10100] =	vst v63  }
0xa2: {  	v3 =	vld [tilespmem:$0xA0];
	_ =	sdelay $0x4  }
0xa3: {  	v54 =	vshll.u32 v3, $0x3  }
0xa4: {  	v3 =	vand.u32 $0x7, v3;
	v4 =	vand.u32 $0xFFFFFFC0, v54  }
0xa5: {  	v3 =	vor.u32 v3, v4  }
0xa6: {  	v4 =	vperm.xlane v3, v0;
	_ =	sdelay $0x1  }
0xa7: {  	v4 =	vadd.s32 v1, v4;
	_ =	sdelay $0x3  }
0xa8: {  	s15 =	simm.s32 $0x8100  }
0xa9: {  	[hbm4b:s3+s2] =	stream.indirect_vreg.scatter [tilespmem:s15], [sflag:$0x1], $0x80, v4, vm0, $0xb8;
	[tilespmem:$0x10100] =	vst v63  }
0xaa: {  	s16 =	simm.s32 $0x8900;
	v3 =	vperm.xlane v3, v2  }
0xab: {  	[hbm4b:s4+s2] =	stream.indirect_vreg.scatter [tilespmem:s16], [sflag:$0x1], $0x80, v4, vm0, $0xb8;
	[tilespmem:$0x10100] =	vst v63  }
0xac: {  	s11 =	simm.s32 $0x9100;
	v3 =	vadd.s32 v1, v3  }
0xad: {  	[hbm4b:s5+s2] =	stream.indirect_vreg.scatter [tilespmem:s11], [sflag:$0x1], $0x80, v4, vm0, $0xb8;
	[tilespmem:$0x10100] =	vst v63  }
0xae: {  	s12 =	simm.s32 $0x9900  }
0xaf: {  	[hbm4b:s6+s2] =	stream.indirect_vreg.scatter [tilespmem:s12], [sflag:$0x1], $0x80, v4, vm0, $0xb8;
	[tilespmem:$0x10100] =	vst v63  }
0xb0: {  	s13 =	simm.s32 $0xA100  }
0xb1: {  	[hbm4b:s3+s2] =	stream.indirect_vreg.scatter [tilespmem:s13], [sflag:$0x1], $0x80, v3, vm0, $0xb8;
	[tilespmem:$0x10100] =	vst v63  }
0xb2: {  	s25 =	simm.s32 $0xA900  }
0xb3: {  	[hbm4b:s4+s2] =	stream.indirect_vreg.scatter [tilespmem:s25], [sflag:$0x1], $0x80, v3, vm0, $0xb8;
	[tilespmem:$0x10100] =	vst v63  }
0xb4: {  	s25 =	simm.s32 $0xB100  }
0xb5: {  	[hbm4b:s5+s2] =	stream.indirect_vreg.scatter [tilespmem:s25], [sflag:$0x1], $0x80, v3, vm0, $0xb8;
	[tilespmem:$0x10100] =	vst v63  }
0xb6: {  	s23 =	simm.s32 $0xB900  }
0xb7: {  	[hbm4b:s6+s2] =	stream.indirect_vreg.scatter [tilespmem:s23], [sflag:$0x1], $0x80, v3, vm0, $0xb8;
	[tilespmem:$0x10100] =	vst v63  }
0xb8: {  	v3 =	vld [tilespmem:$0xB0];
	_ =	sdelay $0x4  }
0xb9: {  	v55 =	vshll.u32 v3, $0x3  }
0xba: {  	v3 =	vand.u32 $0x7, v3;
	v4 =	vand.u32 $0xFFFFFFC0, v55  }
0xbb: {  	v3 =	vor.u32 v3, v4  }
0xbc: {  	v4 =	vperm.xlane v3, v0;
	_ =	sdelay $0x1  }
0xbd: {  	v4 =	vadd.s32 v1, v4;
	_ =	sdelay $0x3  }
0xbe: {  	s24 =	simm.s32 $0xC100  }
0xbf: {  	[hbm4b:s3+s2] =	stream.indirect_vreg.scatter [tilespmem:s24], [sflag:$0x1], $0x80, v4, vm0, $0xb8;
	[tilespmem:$0x10100] =	vst v63  }
0xc0: {  	s22 =	simm.s32 $0xC900;
	v3 =	vperm.xlane v3, v2  }
0xc1: {  	[hbm4b:s4+s2] =	stream.indirect_vreg.scatter [tilespmem:s22], [sflag:$0x1], $0x80, v4, vm0, $0xb8;
	[tilespmem:$0x10100] =	vst v63  }
0xc2: {  	s31 =	simm.s32 $0xD100;
	v3 =	vadd.s32 v1, v3  }
0xc3: {  	[hbm4b:s5+s2] =	stream.indirect_vreg.scatter [tilespmem:s31], [sflag:$0x1], $0x80, v4, vm0, $0xb8;
	[tilespmem:$0x10100] =	vst v63  }
0xc4: {  	s26 =	simm.s32 $0xD900  }
0xc5: {  	[hbm4b:s6+s2] =	stream.indirect_vreg.scatter [tilespmem:s26], [sflag:$0x1], $0x80, v4, vm0, $0xb8;
	[tilespmem:$0x10100] =	vst v63  }
0xc6: {  	s28 =	simm.s32 $0xE100  }
0xc7: {  	[hbm4b:s3+s2] =	stream.indirect_vreg.scatter [tilespmem:s28], [sflag:$0x1], $0x80, v3, vm0, $0xb8;
	[tilespmem:$0x10100] =	vst v63  }
0xc8: {  	s29 =	simm.s32 $0xE900  }
0xc9: {  	[hbm4b:s4+s2] =	stream.indirect_vreg.scatter [tilespmem:s29], [sflag:$0x1], $0x80, v3, vm0, $0xb8;
	[tilespmem:$0x10100] =	vst v63  }
0xca: {  	s30 =	simm.s32 $0xF100  }
0xcb: {  	[hbm4b:s5+s2] =	stream.indirect_vreg.scatter [tilespmem:s30], [sflag:$0x1], $0x80, v3, vm0, $0xb8;
	[tilespmem:$0x10100] =	vst v63  }
0xcc: {  	s20 =	simm.s32 $0xF900  }
0xcd: {  	[hbm4b:s6+s2] =	stream.indirect_vreg.scatter [tilespmem:s20], [sflag:$0x1], $0x80, v3, vm0, $0xb8;
	[tilespmem:$0x10100] =	vst v63  }
0xce: {  	_ =	swait.ge [sflag:s19], $0x10000  }
0xcf: {  	[sflag:s19] =	ssyncset.done $0x0  }
0xd0: {  	s23 =	rddreg [dreg:$0x6];
	[sflag:s19] =	ssyncadd.s32 $0xFFFF0000  }
0xd1: {  	[tilespmem:s2], [sflag:$0x2] =	stream.linear.gather [hbm4b:s23+s2], $0x40, $0x38;
	[tilespmem:$0x10100] =	vst v63  }
0xd2: {  	_ =	swait.ge [sflag:s8], $0x40  }
0xd3: {  	[sflag:s8] =	ssyncset.done $0x0  }
0xd4: {  	s26 =	simm.s32 $0x80;
	s25 =	rddreg [dreg:$0x7];
	[sflag:s8] =	ssyncadd.s32 $0xFFFFFFC0  }
0xd5: {  	[tilespmem:s26], [sflag:$0x2] =	stream.linear.gather [hbm4b:s25+s2], $0x40, $0x38;
	[tilespmem:$0x10100] =	vst v63  }
0xd6: {  	_ =	swait.ge [sflag:s8], $0x40  }
0xd7: {  	[sflag:s8] =	ssyncset.done $0x0  }
0xd8: {  	s28 =	rddreg [dreg:$0x8];
	[sflag:s8] =	ssyncadd.s32 $0xFFFFFFC0  }
0xd9: {  	[tilespmem:s21], [sflag:$0x2] =	stream.linear.gather [hbm4b:s28+s2], $0x10000, $0x38;
	[tilespmem:$0x10100] =	vst v63  }
0xda: {  	_ =	swait.ge [sflag:s8], $0x10000  }
0xdb: {  	[sflag:s8] =	ssyncset.done $0x0  }
0xdc: {  	[sflag:s8] =	ssyncadd.s32 $0xFFFF0000  }
0xdd: {  	v3 =	vld [tilespmem:$0x0];
	_ =	sdelay $0x4  }
0xde: {  	v56 =	vshll.u32 v3, $0x3  }
0xdf: {  	v3 =	vand.u32 $0x7, v3;
	v4 =	vand.u32 $0xFFFFFFC0, v56  }
0xe0: {  	v3 =	vor.u32 v3, v4  }
0xe1: {  	v4 =	vperm.xlane v3, v0;
	_ =	sdelay $0x1  }
0xe2: {  	v4 =	vadd.s32 v1, v4;
	_ =	sdelay $0x4  }
0xe3: {  	[hbm4b:s3+s2] =	stream.indirect_vreg.scatter [tilespmem:s21], [sflag:$0x1], $0x80, v4, vm0, $0xb8;
	[tilespmem:$0x10100] =	vst v63  }
0xe4: {  	s29 =	simm.s32 $0x900;
	v3 =	vperm.xlane v3, v2  }
0xe5: {  	[hbm4b:s4+s2] =	stream.indirect_vreg.scatter [tilespmem:s29], [sflag:$0x1], $0x80, v4, vm0, $0xb8;
	[tilespmem:$0x10100] =	vst v63  }
0xe6: {  	s30 =	simm.s32 $0x1100;
	v3 =	vadd.s32 v1, v3  }
0xe7: {  	[hbm4b:s5+s2] =	stream.indirect_vreg.scatter [tilespmem:s30], [sflag:$0x1], $0x80, v4, vm0, $0xb8;
	[tilespmem:$0x10100] =	vst v63  }
0xe8: {  	s31 =	simm.s32 $0x1900  }
0xe9: {  	[hbm4b:s6+s2] =	stream.indirect_vreg.scatter [tilespmem:s31], [sflag:$0x1], $0x80, v4, vm0, $0xb8;
	[tilespmem:$0x10100] =	vst v63  }
0xea: {  	s25 =	simm.s32 $0x2100  }
0xeb: {  	[hbm4b:s3+s2] =	stream.indirect_vreg.scatter [tilespmem:s25], [sflag:$0x1], $0x80, v3, vm0, $0xb8;
	[tilespmem:$0x10100] =	vst v63  }
0xec: {  	s28 =	simm.s32 $0x2900  }
0xed: {  	[hbm4b:s4+s2] =	stream.indirect_vreg.scatter [tilespmem:s28], [sflag:$0x1], $0x80, v3, vm0, $0xb8;
	[tilespmem:$0x10100] =	vst v63  }
0xee: {  	s29 =	simm.s32 $0x3100  }
0xef: {  	[hbm4b:s5+s2] =	stream.indirect_vreg.scatter [tilespmem:s29], [sflag:$0x1], $0x80, v3, vm0, $0xb8;
	[tilespmem:$0x10100] =	vst v63  }
0xf0: {  	s30 =	simm.s32 $0x3900  }
0xf1: {  	[hbm4b:s6+s2] =	stream.indirect_vreg.scatter [tilespmem:s30], [sflag:$0x1], $0x80, v3, vm0, $0xb8;
	[tilespmem:$0x10100] =	vst v63  }
0xf2: {  	v3 =	vld [tilespmem:$0x10];
	_ =	sdelay $0x4  }
0xf3: {  	v57 =	vshll.u32 v3, $0x3  }
0xf4: {  	v3 =	vand.u32 $0x7, v3;
	v4 =	vand.u32 $0xFFFFFFC0, v57  }
0xf5: {  	v3 =	vor.u32 v3, v4  }
0xf6: {  	v4 =	vperm.xlane v3, v0;
	_ =	sdelay $0x1  }
0xf7: {  	v4 =	vadd.s32 v1, v4;
	_ =	sdelay $0x4  }
0xf8: {  	[hbm4b:s3+s2] =	stream.indirect_vreg.scatter [tilespmem:s17], [sflag:$0x1], $0x80, v4, vm0, $0xb8;
	[tilespmem:$0x10100] =	vst v63  }
0xf9: {  	v3 =	vperm.xlane v3, v2  }
0xfa: {  	[hbm4b:s4+s2] =	stream.indirect_vreg.scatter [tilespmem:s18], [sflag:$0x1], $0x80, v4, vm0, $0xb8;
	[tilespmem:$0x10100] =	vst v63  }
0xfb: {  	s31 =	simm.s32 $0x5100;
	v3 =	vadd.s32 v1, v3  }
0xfc: {  	[hbm4b:s5+s2] =	stream.indirect_vreg.scatter [tilespmem:s31], [sflag:$0x1], $0x80, v4, vm0, $0xb8;
	[tilespmem:$0x10100] =	vst v63  }
0xfd: {  	_ = 	snop  }
0xfe: {  	[hbm4b:s6+s2] =	stream.indirect_vreg.scatter [tilespmem:s0], [sflag:$0x1], $0x80, v4, vm0, $0xb8;
	[tilespmem:$0x10100] =	vst v63  }
0xff: {  	_ = 	snop  }
0x100: {  	[hbm4b:s3+s2] =	stream.indirect_vreg.scatter [tilespmem:s1], [sflag:$0x1], $0x80, v3, vm0, $0xb8;
	[tilespmem:$0x10100] =	vst v63  }
0x101: {  	_ = 	snop  }
0x102: {  	[hbm4b:s4+s2] =	stream.indirect_vreg.scatter [tilespmem:s9], [sflag:$0x1], $0x80, v3, vm0, $0xb8;
	[tilespmem:$0x10100] =	vst v63  }
0x103: {  	_ = 	snop  }
0x104: {  	[hbm4b:s5+s2] =	stream.indirect_vreg.scatter [tilespmem:s10], [sflag:$0x1], $0x80, v3, vm0, $0xb8;
	[tilespmem:$0x10100] =	vst v63  }
0x105: {  	_ = 	snop  }
0x106: {  	[hbm4b:s6+s2] =	stream.indirect_vreg.scatter [tilespmem:s14], [sflag:$0x1], $0x80, v3, vm0, $0xb8;
	[tilespmem:$0x10100] =	vst v63  }
0x107: {  	v3 =	vld [tilespmem:$0x20];
	_ =	sdelay $0x4  }
0x108: {  	v58 =	vshll.u32 v3, $0x3  }
0x109: {  	v3 =	vand.u32 $0x7, v3;
	v4 =	vand.u32 $0xFFFFFFC0, v58  }
0x10a: {  	v3 =	vor.u32 v3, v4  }
0x10b: {  	v4 =	vperm.xlane v3, v0;
	_ =	sdelay $0x1  }
0x10c: {  	v4 =	vadd.s32 v1, v4;
	_ =	sdelay $0x4  }
0x10d: {  	[hbm4b:s3+s2] =	stream.indirect_vreg.scatter [tilespmem:s15], [sflag:$0x1], $0x80, v4, vm0, $0xb8;
	[tilespmem:$0x10100] =	vst v63  }
0x10e: {  	v3 =	vperm.xlane v3, v2  }
0x10f: {  	[hbm4b:s4+s2] =	stream.indirect_vreg.scatter [tilespmem:s16], [sflag:$0x1], $0x80, v4, vm0, $0xb8;
	[tilespmem:$0x10100] =	vst v63  }
0x110: {  	v3 =	vadd.s32 v1, v3  }
0x111: {  	[hbm4b:s5+s2] =	stream.indirect_vreg.scatter [tilespmem:s11], [sflag:$0x1], $0x80, v4, vm0, $0xb8;
	[tilespmem:$0x10100] =	vst v63  }
0x112: {  	_ = 	snop  }
0x113: {  	[hbm4b:s6+s2] =	stream.indirect_vreg.scatter [tilespmem:s12], [sflag:$0x1], $0x80, v4, vm0, $0xb8;
	[tilespmem:$0x10100] =	vst v63  }
0x114: {  	_ = 	snop  }
0x115: {  	[hbm4b:s3+s2] =	stream.indirect_vreg.scatter [tilespmem:s13], [sflag:$0x1], $0x80, v3, vm0, $0xb8;
	[tilespmem:$0x10100] =	vst v63  }
0x116: {  	s11 =	simm.s32 $0xA900  }
0x117: {  	[hbm4b:s4+s2] =	stream.indirect_vreg.scatter [tilespmem:s11], [sflag:$0x1], $0x80, v3, vm0, $0xb8;
	[tilespmem:$0x10100] =	vst v63  }
0x118: {  	s20 =	simm.s32 $0xB100  }
0x119: {  	[hbm4b:s5+s2] =	stream.indirect_vreg.scatter [tilespmem:s20], [sflag:$0x1], $0x80, v3, vm0, $0xb8;
	[tilespmem:$0x10100] =	vst v63  }
0x11a: {  	s12 =	simm.s32 $0xB900  }
0x11b: {  	[hbm4b:s6+s2] =	stream.indirect_vreg.scatter [tilespmem:s12], [sflag:$0x1], $0x80, v3, vm0, $0xb8;
	[tilespmem:$0x10100] =	vst v63  }
0x11c: {  	v3 =	vld [tilespmem:$0x30];
	_ =	sdelay $0x4  }
0x11d: {  	v59 =	vshll.u32 v3, $0x3  }
0x11e: {  	v3 =	vand.u32 $0x7, v3;
	v4 =	vand.u32 $0xFFFFFFC0, v59  }
0x11f: {  	v3 =	vor.u32 v3, v4  }
0x120: {  	v4 =	vperm.xlane v3, v0;
	_ =	sdelay $0x1  }
0x121: {  	v4 =	vadd.s32 v1, v4;
	_ =	sdelay $0x3  }
0x122: {  	s10 =	simm.s32 $0xC100  }
0x123: {  	[hbm4b:s3+s2] =	stream.indirect_vreg.scatter [tilespmem:s10], [sflag:$0x1], $0x80, v4, vm0, $0xb8;
	[tilespmem:$0x10100] =	vst v63  }
0x124: {  	s11 =	simm.s32 $0xC900;
	v3 =	vperm.xlane v3, v2  }
0x125: {  	[hbm4b:s4+s2] =	stream.indirect_vreg.scatter [tilespmem:s11], [sflag:$0x1], $0x80, v4, vm0, $0xb8;
	[tilespmem:$0x10100] =	vst v63  }
0x126: {  	s9 =	simm.s32 $0xD100;
	v3 =	vadd.s32 v1, v3  }
0x127: {  	[hbm4b:s5+s2] =	stream.indirect_vreg.scatter [tilespmem:s9], [sflag:$0x1], $0x80, v4, vm0, $0xb8;
	[tilespmem:$0x10100] =	vst v63  }
0x128: {  	s22 =	simm.s32 $0xD900  }
0x129: {  	[hbm4b:s6+s2] =	stream.indirect_vreg.scatter [tilespmem:s22], [sflag:$0x1], $0x80, v4, vm0, $0xb8;
	[tilespmem:$0x10100] =	vst v63  }
0x12a: {  	s24 =	simm.s32 $0xE100  }
0x12b: {  	[hbm4b:s3+s2] =	stream.indirect_vreg.scatter [tilespmem:s24], [sflag:$0x1], $0x80, v3, vm0, $0xb8;
	[tilespmem:$0x10100] =	vst v63  }
0x12c: {  	s0 =	simm.s32 $0xE900  }
0x12d: {  	[hbm4b:s4+s2] =	stream.indirect_vreg.scatter [tilespmem:s0], [sflag:$0x1], $0x80, v3, vm0, $0xb8;
	[tilespmem:$0x10100] =	vst v63  }
0x12e: {  	s1 =	simm.s32 $0xF100  }
0x12f: {  	[hbm4b:s5+s2] =	stream.indirect_vreg.scatter [tilespmem:s1], [sflag:$0x1], $0x80, v3, vm0, $0xb8;
	[tilespmem:$0x10100] =	vst v63  }
0x130: {  	s12 =	simm.s32 $0xF900  }
0x131: {  	[hbm4b:s6+s2] =	stream.indirect_vreg.scatter [tilespmem:s12], [sflag:$0x1], $0x80, v3, vm0, $0xb8;
	[tilespmem:$0x10100] =	vst v63  }
0x132: {  	_ =	swait.ge [sflag:s19], $0x10000  }
0x133: {  	[sflag:s19] =	ssyncset.done $0x0  }
0x134: {  	[sflag:s19] =	ssyncadd.s32 $0xFFFF0000  }
0x135: {  	v3 =	vld [tilespmem:$0x80];
	_ =	sdelay $0x4  }
0x136: {  	v60 =	vshll.u32 v3, $0x3  }
0x137: {  	v3 =	vand.u32 $0x7, v3;
	v4 =	vand.u32 $0xFFFFFFC0, v60  }
0x138: {  	v3 =	vor.u32 v3, v4  }
0x139: {  	v4 =	vperm.xlane v3, v0;
	_ =	sdelay $0x1  }
0x13a: {  	v4 =	vadd.s32 v1, v4;
	_ =	sdelay $0x4  }
0x13b: {  	[hbm4b:s3+s2] =	stream.indirect_vreg.scatter [tilespmem:s21], [sflag:$0x1], $0x80, v4, vm0, $0xb8;
	[tilespmem:$0x10100] =	vst v63  }
0x13c: {  	v3 =	vperm.xlane v3, v2;
	s21 =	simm.s32 $0x900  }
0x13d: {  	[hbm4b:s4+s2] =	stream.indirect_vreg.scatter [tilespmem:s21], [sflag:$0x1], $0x80, v4, vm0, $0xb8;
	[tilespmem:$0x10100] =	vst v63  }
0x13e: {  	s23 =	simm.s32 $0x1100;
	v3 =	vadd.s32 v1, v3  }
0x13f: {  	[hbm4b:s5+s2] =	stream.indirect_vreg.scatter [tilespmem:s23], [sflag:$0x1], $0x80, v4, vm0, $0xb8;
	[tilespmem:$0x10100] =	vst v63  }
0x140: {  	s26 =	simm.s32 $0x1900  }
0x141: {  	[hbm4b:s6+s2] =	stream.indirect_vreg.scatter [tilespmem:s26], [sflag:$0x1], $0x80, v4, vm0, $0xb8;
	[tilespmem:$0x10100] =	vst v63  }
0x142: {  	s23 =	simm.s32 $0x2100  }
0x143: {  	[hbm4b:s3+s2] =	stream.indirect_vreg.scatter [tilespmem:s23], [sflag:$0x1], $0x80, v3, vm0, $0xb8;
	[tilespmem:$0x10100] =	vst v63  }
0x144: {  	s26 =	simm.s32 $0x2900  }
0x145: {  	[hbm4b:s4+s2] =	stream.indirect_vreg.scatter [tilespmem:s26], [sflag:$0x1], $0x80, v3, vm0, $0xb8;
	[tilespmem:$0x10100] =	vst v63  }
0x146: {  	s23 =	simm.s32 $0x3100  }
0x147: {  	[hbm4b:s5+s2] =	stream.indirect_vreg.scatter [tilespmem:s23], [sflag:$0x1], $0x80, v3, vm0, $0xb8;
	[tilespmem:$0x10100] =	vst v63  }
0x148: {  	s26 =	simm.s32 $0x3900  }
0x149: {  	[hbm4b:s6+s2] =	stream.indirect_vreg.scatter [tilespmem:s26], [sflag:$0x1], $0x80, v3, vm0, $0xb8;
	[tilespmem:$0x10100] =	vst v63  }
0x14a: {  	v3 =	vld [tilespmem:$0x90];
	_ =	sdelay $0x4  }
0x14b: {  	v61 =	vshll.u32 v3, $0x3  }
0x14c: {  	v3 =	vand.u32 $0x7, v3;
	v4 =	vand.u32 $0xFFFFFFC0, v61  }
0x14d: {  	v3 =	vor.u32 v3, v4  }
0x14e: {  	v4 =	vperm.xlane v3, v0;
	_ =	sdelay $0x1  }
0x14f: {  	v4 =	vadd.s32 v1, v4;
	_ =	sdelay $0x3  }
0x150: {  	s17 =	simm.s32 $0x4100  }
0x151: {  	[hbm4b:s3+s2] =	stream.indirect_vreg.scatter [tilespmem:s17], [sflag:$0x1], $0x80, v4, vm0, $0xb8;
	[tilespmem:$0x10100] =	vst v63  }
0x152: {  	s18 =	simm.s32 $0x4900;
	v3 =	vperm.xlane v3, v2  }
0x153: {  	[hbm4b:s4+s2] =	stream.indirect_vreg.scatter [tilespmem:s18], [sflag:$0x1], $0x80, v4, vm0, $0xb8;
	[tilespmem:$0x10100] =	vst v63  }
0x154: {  	s29 =	simm.s32 $0x5100;
	v3 =	vadd.s32 v1, v3  }
0x155: {  	[hbm4b:s5+s2] =	stream.indirect_vreg.scatter [tilespmem:s29], [sflag:$0x1], $0x80, v4, vm0, $0xb8;
	[tilespmem:$0x10100] =	vst v63  }
0x156: {  	s28 =	simm.s32 $0x5900  }
0x157: {  	[hbm4b:s6+s2] =	stream.indirect_vreg.scatter [tilespmem:s28], [sflag:$0x1], $0x80, v4, vm0, $0xb8;
	[tilespmem:$0x10100] =	vst v63  }
0x158: {  	s30 =	simm.s32 $0x6100  }
0x159: {  	[hbm4b:s3+s2] =	stream.indirect_vreg.scatter [tilespmem:s30], [sflag:$0x1], $0x80, v3, vm0, $0xb8;
	[tilespmem:$0x10100] =	vst v63  }
0x15a: {  	s31 =	simm.s32 $0x6900  }
0x15b: {  	[hbm4b:s4+s2] =	stream.indirect_vreg.scatter [tilespmem:s31], [sflag:$0x1], $0x80, v3, vm0, $0xb8;
	[tilespmem:$0x10100] =	vst v63  }
0x15c: {  	s28 =	simm.s32 $0x7100  }
0x15d: {  	[hbm4b:s5+s2] =	stream.indirect_vreg.scatter [tilespmem:s28], [sflag:$0x1], $0x80, v3, vm0, $0xb8;
	[tilespmem:$0x10100] =	vst v63  }
0x15e: {  	s14 =	simm.s32 $0x7900  }
0x15f: {  	[hbm4b:s6+s2] =	stream.indirect_vreg.scatter [tilespmem:s14], [sflag:$0x1], $0x80, v3, vm0, $0xb8;
	[tilespmem:$0x10100] =	vst v63  }
0x160: {  	v3 =	vld [tilespmem:$0xA0];
	_ =	sdelay $0x4  }
0x161: {  	v62 =	vshll.u32 v3, $0x3  }
0x162: {  	v3 =	vand.u32 $0x7, v3;
	v4 =	vand.u32 $0xFFFFFFC0, v62  }
0x163: {  	v3 =	vor.u32 v3, v4  }
0x164: {  	v4 =	vperm.xlane v3, v0;
	_ =	sdelay $0x1  }
0x165: {  	v4 =	vadd.s32 v1, v4;
	_ =	sdelay $0x3  }
0x166: {  	s15 =	simm.s32 $0x8100  }
0x167: {  	[hbm4b:s3+s2] =	stream.indirect_vreg.scatter [tilespmem:s15], [sflag:$0x1], $0x80, v4, vm0, $0xb8;
	[tilespmem:$0x10100] =	vst v63  }
0x168: {  	s16 =	simm.s32 $0x8900;
	v3 =	vperm.xlane v3, v2  }
0x169: {  	[hbm4b:s4+s2] =	stream.indirect_vreg.scatter [tilespmem:s16], [sflag:$0x1], $0x80, v4, vm0, $0xb8;
	[tilespmem:$0x10100] =	vst v63  }
0x16a: {  	s29 =	simm.s32 $0x9100;
	v3 =	vadd.s32 v1, v3  }
0x16b: {  	[hbm4b:s5+s2] =	stream.indirect_vreg.scatter [tilespmem:s29], [sflag:$0x1], $0x80, v4, vm0, $0xb8;
	[tilespmem:$0x10100] =	vst v63  }
0x16c: {  	s30 =	simm.s32 $0x9900  }
0x16d: {  	[hbm4b:s6+s2] =	stream.indirect_vreg.scatter [tilespmem:s30], [sflag:$0x1], $0x80, v4, vm0, $0xb8;
	[tilespmem:$0x10100] =	vst v63  }
0x16e: {  	s13 =	simm.s32 $0xA100  }
0x16f: {  	[hbm4b:s3+s2] =	stream.indirect_vreg.scatter [tilespmem:s13], [sflag:$0x1], $0x80, v3, vm0, $0xb8;
	[tilespmem:$0x10100] =	vst v63  }
0x170: {  	s31 =	simm.s32 $0xA900  }
0x171: {  	[hbm4b:s4+s2] =	stream.indirect_vreg.scatter [tilespmem:s31], [sflag:$0x1], $0x80, v3, vm0, $0xb8;
	[tilespmem:$0x10100] =	vst v63  }
0x172: {  	_ = 	snop  }
0x173: {  	[hbm4b:s5+s2] =	stream.indirect_vreg.scatter [tilespmem:s20], [sflag:$0x1], $0x80, v3, vm0, $0xb8;
	[tilespmem:$0x10100] =	vst v63  }
0x174: {  	s25 =	simm.s32 $0xB900  }
0x175: {  	[hbm4b:s6+s2] =	stream.indirect_vreg.scatter [tilespmem:s25], [sflag:$0x1], $0x80, v3, vm0, $0xb8;
	[tilespmem:$0x10100] =	vst v63  }
0x176: {  	v3 =	vld [tilespmem:$0xB0];
	_ =	sdelay $0x4  }
0x177: {  	v63 =	vshll.u32 v3, $0x3  }
0x178: {  	v3 =	vand.u32 $0x7, v3;
	v4 =	vand.u32 $0xFFFFFFC0, v63  }
0x179: {  	v3 =	vor.u32 v3, v4  }
0x17a: {  	v4 =	vperm.xlane v3, v0;
	_ =	sdelay $0x1  }
0x17b: {  	v4 =	vadd.s32 v1, v4;
	_ =	sdelay $0x4  }
0x17c: {  	[hbm4b:s3+s2] =	stream.indirect_vreg.scatter [tilespmem:s10], [sflag:$0x1], $0x80, v4, vm0, $0xb8;
	[tilespmem:$0x10100] =	vst v63  }
0x17d: {  	v3 =	vperm.xlane v3, v2  }
0x17e: {  	[hbm4b:s4+s2] =	stream.indirect_vreg.scatter [tilespmem:s11], [sflag:$0x1], $0x80, v4, vm0, $0xb8;
	[tilespmem:$0x10100] =	vst v63  }
0x17f: {  	v3 =	vadd.s32 v1, v3  }
0x180: {  	[hbm4b:s5+s2] =	stream.indirect_vreg.scatter [tilespmem:s9], [sflag:$0x1], $0x80, v4, vm0, $0xb8;
	[tilespmem:$0x10100] =	vst v63  }
0x181: {  	s22 =	simm.s32 $0xD900  }
0x182: {  	[hbm4b:s6+s2] =	stream.indirect_vreg.scatter [tilespmem:s22], [sflag:$0x1], $0x80, v4, vm0, $0xb8;
	[tilespmem:$0x10100] =	vst v63  }
0x183: {  	s24 =	simm.s32 $0xE100  }
0x184: {  	[hbm4b:s3+s2] =	stream.indirect_vreg.scatter [tilespmem:s24], [sflag:$0x1], $0x80, v3, vm0, $0xb8;
	[tilespmem:$0x10100] =	vst v63  }
0x185: {  	_ = 	snop  }
0x186: {  	[hbm4b:s4+s2] =	stream.indirect_vreg.scatter [tilespmem:s0], [sflag:$0x1], $0x80, v3, vm0, $0xb8;
	[tilespmem:$0x10100] =	vst v63  }
0x187: {  	p0 =	sne.s32 s7, $0x1  }
0x188: {  	[hbm4b:s5+s2] =	stream.indirect_vreg.scatter [tilespmem:s1], [sflag:$0x1], $0x80, v3, vm0, $0xb8;
	[tilespmem:$0x10100] =	vst v63  }
.Ltmp0:
0x189: {  	_ = 	snop;
	(pc) =	sbr.rel @p0 .LBB2_1-.Ltmp0, $4  }
0x18a: {  	[hbm4b:s6+s2] =	stream.indirect_vreg.scatter [tilespmem:s12], [sflag:$0x1], $0x80, v3, vm0, $0xb8;
	[tilespmem:$0x10100] =	vst v63  }
0x18b: {  	_ =	swait.ge [sflag:s19], $0x10000  }
0x18c: {  	[sflag:s19] =	ssyncset.done $0x0  }
0x18d: {  	s7 =	sadd.s32 $0xFFFFFFFF, s7;
	[sflag:s19] =	ssyncadd.s32 $0xFFFF0000  }
0x18e: {  	_ =	sfence.sel $0x180000  }
0x18f: {  	[bflag:$0x0] =	sbarrier.arrive $0xFFFF  }
0x190: {  	_ =	strace $0x90000047  }
0x191: {  	s0 =	stileid.u32;
	[bflag:$0x2] =	sbarrier.arrive $0xFFFF  }
0x192: {  	p0 =	sne.s32 s0, $0x0;
	s0 =	rddreg [dreg:$0x2]  }
0x193: {  	s0 =	sadd.s32 @!p0 $0x100000, s0  }
0x194: {  	[sflag:s0] =	ssyncadd.tile.s32 @!p0 $0x1;
	_ =	shalt  }
.Lfunc_end2:
_tile_overlayer_lowered:
.L_overlay_start_2:
0x195: {  	(tag) =	ssettag $0x2  }
0x196: {  	s0 =	rddreg [dreg:$0x0];
	s2 =	stileid.u32  }
0x197: {  	s1 =	rddreg [dreg:$0x1];
	p0 =	sne.s32 s2, $0x0  }
0x198: {  	s3 =	rddreg [dreg:$0x2];
	[bflag:$0x3] =	sbarrier.arrive $0xFFFF;
	s2 =	simm.s32 @!p0 $0x1C02  }
0x199: {  	[timem:s3], [sflag:s2] =	dma.local @!p0 [hbm:s0], s1  }
0x19a: {  	s0 =	simm.s32 @!p0 $0x2  }
0x19b: {  	_ =	swait.ge @!p0 [sflag:s0], s1  }
0x19c: {  	s1 =	ssub.s32 @!p0 $0x0, s1;
	[sflag:s0] =	ssyncset.done @!p0 $0x0  }
0x19d: {  	[sflag:s0] =	ssyncadd.s32 @!p0 s1  }
0x19e: {  	[bflag:$0x3] =	sbarrier.arrive $0xFFFF  }
0x19f: {  	_ =	shalt  }

// kernel: kernel.13.cloned.1.call-start
scs
__scs_entry_jumppad:
0x0: {  	(pc) =	sbr.rel $0x88, $3  }
0x1: {  	(tag) =	ssettag $0x0;
	lr =	simm.s32 $0x1  }
0x2: {  	[smem:$0x3F9A] =	sst lr;
	_ =	strace $0xD0000000  }
0x3: {  	_ = 	snop  }
0x4: {  	_ = 	snop  }
0x5: {  	_ = 	snop  }
0x6: {  	_ = 	snop  }
0x7: {  	_ = 	snop  }
__scs_overlays_trampoline_lowered:
0x8: {  	[smem:$0x3FA9] =	sst s0  }
0x9: {  	[smem:$0x3FAA] =	sst s1  }
0xa: {  	[smem:$0x3FAB] =	sst s2  }
0xb: {  	[smem:$0x3FAC] =	sst s3  }
0xc: {  	[smem:$0x3FAD] =	sst s4  }
0xd: {  	[smem:$0x3FAE] =	sst s5  }
0xe: {  	[smem:$0x3FAF] =	sst s6  }
0xf: {  	[smem:$0x3FB0] =	sst s7  }
0x10: {  	[smem:$0x3FB1] =	sst s8  }
0x11: {  	[smem:$0x3FB2] =	sst s9;
	s0 =	simm.s32 @!p0 $0x0  }
0x12: {  	s1 =	sld [smem:$0x3F98];
	s0 =	simm.s32 @p0 $0x1  }
0x13: {  	[smem:$0x3FB3] =	sst s0;
	s0 =	simm.s32 @!p1 $0x0  }
0x14: {  	s2 =	sld [smem:$0x3F97];
	s0 =	simm.s32 @p1 $0x1  }
0x15: {  	[smem:$0x3FB4] =	sst s0;
	s0 =	simm.s32 @!p2 $0x0  }
0x16: {  	s3 =	sld [smem:$0x3FDB];
	s0 =	simm.s32 @p2 $0x1  }
0x17: {  	s4 =	simm.s32 $0x1BF5;
	[smem:$0x3FB6] =	sst s0  }
0x18: {  	s0 =	sld [smem:$0x3F99];
	_ =	swait.ge [sflag:s4], $0x0  }
0x19: {  	s7 =	sld [smem:$0x3F9A]  }
0x1a: {  	s8 =	sadd.s32 $0xFFFFE003, lr  }
0x1b: {  	s9 =	sadd.s32 $0xFFFFFEF7, lr;
	s5 =	simm.s32 $0xFFFFFFFF;
	p2 =	slt.u32 s8, $0xFFFFF086  }
0x1c: {  	p1 =	slt.u32 s9, $0xF7A;
	s5 =	simm.s32 @!p2 $0x0  }
0x1d: {  	s5 =	simm.s32 @p1 $0x1;
	p0 =	seq.s32 s7, s2  }
0x1e: {  	s7 =	smul.u32 @!p0 $0xF7A, s2;
	p2 =	seq.s32 @!p0 s5, $0x0  }
0x1f: {  	s9 =	smul.u32 $0xF7A, s1;
	s8 =	simm.s32 @!p0 $0x1BF5;
	p2 =	por !p2, p0  }
0x20: {  	[sflag:s8] =	ssyncset.s32 @!p0 $0xFFFFF086;
	s6 =	sadd.s32 @!p0 s3, s7;
	s7 =	simm.s32 @!p0 $0x108  }
0x21: {  	s3 =	sadd.s32 s3, s9;
	s6 =	sadd.s32 @!p0 $0x88, s6;
	s7 =	simm.s32 @p2 $0x1082  }
0x22: {  	[simem:s7], [sflag:s8] =	dma.local @!p0 [hbm:s6], $0xF7A  }
0x23: {  	s9 =	sor.u32 $0xD0000000, s2;
	s6 =	simm.s32 $0x108;
	_ =	swait.ge @!p0 [sflag:s8], $0x0  }
0x24: {  	s3 =	sadd.s32 $0x88, s3;
	s6 =	simm.s32 @!p1 $0x1082;
	[sflag:s4] =	ssyncset.s32 $0xFFFFF086  }
0x25: {  	[simem:s6], [sflag:s4] =	dma.local [hbm:s3], $0xF7A  }
0x26: {  	[smem:$0x3F9A] =	sst s1;
	(tag) =	ssettag s2;
	_ =	strace s9  }
0x27: {  	s1 =	sld [smem:$0x3FAA]  }
0x28: {  	s2 =	sld [smem:$0x3FAB]  }
0x29: {  	s4 =	sld [smem:$0x3FAD]  }
0x2a: {  	p0 =	seq.s32 s5, $0x0;
	s5 =	sld [smem:$0x3FAE]  }
0x2b: {  	s6 =	sld [smem:$0x3FAF]  }
0x2c: {  	s7 =	sld [smem:$0x3FB0]  }
0x2d: {  	s3 =	simm.s32 $0x108;
	s8 =	sld [smem:$0x3FB1]  }
0x2e: {  	s3 =	simm.s32 @!p0 $0x1082;
	s9 =	sld [smem:$0x3FB2]  }
0x2f: {  	lr =	sadd.s32 s0, s3;
	s0 =	sld [smem:$0x3FA9]  }
0x30: {  	s3 =	sld [smem:$0x3FAC]  }
0x31: {  	[smem:$0x3FB5] =	sst s10  }
0x32: {  	s10 =	sld [smem:$0x3FB3];
	_ =	sdelay $0x3  }
0x33: {  	p0 =	seq.s32 s10, $0x1;
	s10 =	sld [smem:$0x3FB5];
	_ =	sdelay $0x3  }
0x34: {  	[smem:$0x3FB5] =	sst s10  }
0x35: {  	s10 =	sld [smem:$0x3FB4];
	_ =	sdelay $0x3  }
0x36: {  	p1 =	seq.s32 s10, $0x1;
	s10 =	sld [smem:$0x3FB5];
	_ =	sdelay $0x3  }
0x37: {  	[smem:$0x3FB5] =	sst s10  }
0x38: {  	s10 =	sld [smem:$0x3FB6]  }
0x39: {  	_ = 	snop;
	(pc) =	sbr.ind lr, $3  }
0x3a: {  	_ = 	snop  }
0x3b: {  	_ = 	snop  }
0x3c: {  	p2 =	seq.s32 s10, $0x1;
	s10 =	sld [smem:$0x3FB5]  }
0x3d: {  	_ =	shalt  }
0x3e: {  	_ =	shalt  }
0x3f: {  	_ =	shalt  }
0x40: {  	_ =	shalt  }
0x41: {  	_ =	shalt  }
0x42: {  	_ =	shalt  }
0x43: {  	_ =	shalt  }
0x44: {  	_ =	shalt  }
0x45: {  	_ =	shalt  }
0x46: {  	_ =	shalt  }
0x47: {  	_ =	shalt  }
0x48: {  	_ =	shalt  }
0x49: {  	_ =	shalt  }
0x4a: {  	_ =	shalt  }
0x4b: {  	_ =	shalt  }
0x4c: {  	_ =	shalt  }
0x4d: {  	_ =	shalt  }
0x4e: {  	_ =	shalt  }
0x4f: {  	_ =	shalt  }
0x50: {  	_ =	shalt  }
0x51: {  	_ =	shalt  }
0x52: {  	_ =	shalt  }
0x53: {  	_ =	shalt  }
0x54: {  	_ =	shalt  }
0x55: {  	_ =	shalt  }
0x56: {  	_ =	shalt  }
0x57: {  	_ =	shalt  }
0x58: {  	_ =	shalt  }
0x59: {  	_ =	shalt  }
0x5a: {  	_ =	shalt  }
0x5b: {  	_ =	shalt  }
0x5c: {  	_ =	shalt  }
0x5d: {  	_ =	shalt  }
0x5e: {  	_ =	shalt  }
0x5f: {  	_ =	shalt  }
0x60: {  	_ =	shalt  }
0x61: {  	_ =	shalt  }
0x62: {  	_ =	shalt  }
0x63: {  	_ =	shalt  }
0x64: {  	_ =	shalt  }
0x65: {  	_ =	shalt  }
0x66: {  	_ =	shalt  }
0x67: {  	_ =	shalt  }
0x68: {  	_ =	shalt  }
0x69: {  	_ =	shalt  }
0x6a: {  	_ =	shalt  }
0x6b: {  	_ =	shalt  }
0x6c: {  	_ =	shalt  }
0x6d: {  	_ =	shalt  }
0x6e: {  	_ =	shalt  }
0x6f: {  	_ =	shalt  }
0x70: {  	_ =	shalt  }
0x71: {  	_ =	shalt  }
0x72: {  	_ =	shalt  }
0x73: {  	_ =	shalt  }
0x74: {  	_ =	shalt  }
0x75: {  	_ =	shalt  }
0x76: {  	_ =	shalt  }
0x77: {  	_ =	shalt  }
0x78: {  	_ =	shalt  }
0x79: {  	_ =	shalt  }
0x7a: {  	_ =	shalt  }
0x7b: {  	_ =	shalt  }
0x7c: {  	_ =	shalt  }
0x7d: {  	_ =	shalt  }
0x7e: {  	_ =	shalt  }
0x7f: {  	_ =	shalt  }
0x80: {  	_ =	shalt  }
0x81: {  	_ =	shalt  }
0x82: {  	_ =	shalt  }
0x83: {  	_ =	shalt  }
0x84: {  	_ =	shalt  }
0x85: {  	_ =	shalt  }
0x86: {  	_ =	shalt  }
0x87: {  	_ =	shalt  }
.Lfunc_end0:
.L_simem_size_0:
called_computation.1_lowered:
.L_overlay_start_0:
0x88: {  	s2 =	sld [smem:$0x3FD9]  }
0x89: {  	s3 =	sld [smem:$0x3FFE];
	_ =	sdelay $0x1  }
0x8a: {  	s1 =	srdreg.scid  }
0x8b: {  	s0 =	sand.u32 $0x1, s1  }
0x8c: {  	s16 =	sshll.u32 s0, $0xA;
	s2 =	sadd.s32 s3, s2  }
0x8d: {  	s2 =	sadd.s32 s2, s16  }
0x8e: {  	[smem:$0x3FC1] =	sst s2  }
0x8f: {  	_ = 	snop  }
0x90: {  	(tm) =	ssettm $0x1  }
0x91: {  	s17 =	sld [smem:$0x3FFB];
	_ =	sdelay $0x3  }
0x92: {  	_ =	strace s17  }
0x93: {  	s2 =	sld [smem:$0x3FFC];
	_ =	sdelay $0x3  }
0x94: {  	_ =	strace s2  }
0x95: {  	s2 =	sld [smem:$0x3FFD];
	_ =	sdelay $0x3  }
0x96: {  	_ =	strace s2  }
0x97: {  	_ =	strace $0x8FFFFFFF  }
0x98: {  	s18 =	sld [smem:$0x3FDB];
	_ =	sdelay $0x1  }
0x99: {  	s19 =	simm.s32 $_scs_section_size  }
0x9a: {  	s4 =	simm.s32 $_size__tile_overlayer_lowered;
	s5 =	simm.s32 $_tile_overlayer_lowered  }
0x9b: {  	s22 =	simm.s32 $0x1BFF;
	s21 =	sshll.u32 s5, $0x1;
	s2 =	sadd.s32 s19, s18  }
0x9c: {  	s6 =	simm.s32 $0x0;
	s20 =	sshll.u32 s4, $0x1;
	s4 =	sadd.s32 s21, s2  }
0x9d: {  	[timem:s6], [sflag:s22] =	dma.local [hbm:s4], s20  }
0x9e: {  	_ =	swait.ge [sflag:s22], s20  }
0x9f: {  	s3 =	ssub.s32 $0x0, s20;
	[sflag:s22] =	ssyncset.done $0x0  }
0xa0: {  	[sflag:s22] =	ssyncadd.s32 s3;
	_ =	sdelay $0x1  }
0xa1: {  	s23 =	simm.s32 $0x1B8B  }
0xa2: {  	_ =	swait.ge [sflag:s23], $0x1  }
0xa3: {  	[sflag:s23] =	ssyncset.done $0x0  }
0xa4: {  	s25 =	simm.s32 $0x1B8E;
	s24 =	sld [smem:$0x3FFE];
	[sflag:s23] =	ssyncadd.s32 $0xFFFFFFFF  }
0xa5: {  	s26 =	simm.s32 $execute0_lowered;
	[smem:$0x3FD2] =	sst s25  }
0xa6: {  	s4 =	sshll.u32 s26, $0x1;
	_ =	strace $0x80000049;
	[dreg:$0x1] =	wrdreg $0xFFFFFFFF  }
0xa7: {  	s28 =	simm.s32 $_size_execute0_lowered;
	s2 =	sadd.s32 s2, s4;
	[dreg:$0x0] =	wrdreg $0x0  }
0xa8: {  	s4 =	sshll.u32 s28, $0x1;
	[dreg:$0x2] =	wrdreg s2  }
0xa9: {  	[dreg:$0x3] =	wrdreg s4  }
0xaa: {  	[dreg:$0x4] =	wrdreg $0xC0  }
0xab: {  	_ =	task [dreg:s6], $0x5FFFF  }
0xac: {  	[dreg:$0x1] =	wrdreg $0xFFFFFFFF  }
0xad: {  	[dreg:$0x0] =	wrdreg $0x60  }
0xae: {  	[dreg:$0x2] =	wrdreg s24  }
0xaf: {  	[dreg:$0x3] =	wrdreg $0x9  }
0xb0: {  	_ =	task.clear_ibuf [dreg:s6], $0x4FFFF;
	_ =	strace $0x90000049  }
0xb1: {  	s29 =	simm.s32 $0x9;
	_ =	strace $0x8000004B  }
0xb2: {  	_ =	swait.ge [sflag:s29], $0x1  }
0xb3: {  	[sflag:s29] =	ssyncadd.s32 $0xFFFFFFFF  }
0xb4: {  	_ =	strace $0x9000004B  }
0xb5: {  	_ =	sfence  }
0xb6: {  	s30 =	sld [smem:$0x0];
	_ =	sdelay $0x2  }
0xb7: {  	s31 =	sshll.u32 s1, $0xD;
	s1 =	sshrl.u32 s1, $0x2  }
0xb8: {  	s3 =	sand.u32 $0x4000, s31;
	s1 =	sadd.s32 s1, s30  }
0xb9: {  	s0 =	sor.u32 s3, s0;
	s1 =	sshll.u32 s1, $0x11  }
0xba: {  	s0 =	sor.u32 s1, s0  }
0xbb: {  	s0 =	sadd.s32 $0x8F2B, s0  }
0xbc: {  	[sflag:s0] =	ssyncadd.remote.s32 $0x1  }
0xbd: {  	_ =	sfence.sel $0xFFFF  }
0xbe: {  	[dreg:$0x0] =	wrdreg $0xFFFFFFFF;
	(pc) =	sbr.abs _section_cstart, $3  }
0xbf: {  	[dreg:$0x1] =	wrdreg $0xFFFFFFFF  }
0xc0: {  	_ =	task.clear_ibuf [dreg:s6], $0x2FFFF;
	_ =	strace $0x9FFFFFFF  }
0xc1: {  	(tm) =	ssettm $0x7FFFFFFF  }
tec
execute0_lowered:
.L_overlay_start_1:
0x0: {  	(tag) =	ssettag $0x1  }
0x1: {  	s0 =	rddreg [dreg:$0x0]  }
0x2: {  	s1 =	simm.s32 $0x0;
	s2 =	srdreg.scid;
	s5 =	stileid.u32  }
0x3: {  	s23 =	simm.s32 $0x80;
	s18 =	simm.s32 $0x1;
	[smem:$0x7FF] =	sst s1  }
0x4: {  	s3 =	sadd.s32 $0x153200, s0;
	s2 =	sand.u32 $0x1, s2;
	s4 =	sadd.s32 $0x12E00, s0  }
0x5: {  	s5 =	sshll.u32 s5, $0x8;
	s7 =	sadd.s32 $0x13000, s0;
	s6 =	sshll.u32 s2, $0x7  }
0x6: {  	s8 =	sadd.s32 $0x13200, s0;
	s9 =	sadd.s32 $0x93200, s0;
	s5 =	sor.u32 s6, s5  }
0x7: {  	_ =	strace $0x8000004A;
	s2 =	ssub.s32 $0x2, s2;
	s6 =	sshrl.u32 s5, $0x3  }
0x8: {  	s10 =	sshrl.u32 s2, $0x1;
	s12 =	sshll.u32 s5, $0x7;
	s11 =	sadd.s32 s4, s6  }
0x9: {  	s2 =	ssub.s32 s2, s10;
	s24 =	sadd.s32 s8, s12;
	[dreg:$0x2] =	wrdreg s11  }
0xa: {  	s5 =	sor.u32 $0x40, s5;
	s6 =	sadd.s32 s7, s6;
	[dreg:$0x3] =	wrdreg s24  }
0xb: {  	s25 =	sadd.s32 s9, s12;
	s26 =	sshrl.u32 s5, $0x3;
	[dreg:$0x4] =	wrdreg s6  }
0xc: {  	s29 =	sshll.u32 s5, $0x7;
	[dreg:$0x5] =	wrdreg s25;
	s28 =	sadd.s32 s4, s26  }
0xd: {  	s5 =	sadd.s32 $0x153400, s0;
	s30 =	sadd.s32 s8, s29;
	[dreg:$0x6] =	wrdreg s28  }
0xe: {  	v2 =	vlaneseq.u32;
	s4 =	sadd.s32 $0x153300, s0;
	s7 =	sadd.s32 s7, s26;
	[dreg:$0x7] =	wrdreg s30  }
0xf: {  	vm0 =	vmmov $0xffff;
	v1 =	vshrl.u32 v2, $0x3;
	s6 =	sadd.s32 $0x153500, s0;
	s31 =	sadd.s32 s9, s29;
	[dreg:$0x8] =	wrdreg s7  }
0x10: {  	v0 =	vand.u32 $0x7, v2;
	v2 =	vor.u32 $0x8, v2;
	v1 =	vmul.u32 $0x8, v1;
	s8 =	simm.s32 $0x2;
	[dreg:$0x9] =	wrdreg s31;
	s7 =	smax.u32 s2, $0x1  }
.LBB2_1:
0x11: {  	s19 =	rddreg [dreg:$0x2]  }
0x12: {  	[tilespmem:s1], [sflag:$0x2] =	stream.linear.gather [hbm4b:s19+s1], $0x40, $0x38;
	[tilespmem:$0x10080] =	vst v63  }
0x13: {  	_ =	swait.ge [sflag:s8], $0x40  }
0x14: {  	[sflag:s8] =	ssyncset.done $0x0  }
0x15: {  	[sflag:s8] =	ssyncadd.s32 $0xFFFFFFC0  }
0x16: {  	v3 =	vld [tilespmem:$0x0];
	_ =	sdelay $0x4  }
0x17: {  	v4 =	vshll.u32 v3, $0x3  }
0x18: {  	v3 =	vand.u32 $0x7, v3;
	v4 =	vand.u32 $0xFFFFFFC0, v4  }
0x19: {  	v3 =	vor.u32 v3, v4  }
0x1a: {  	v4 =	vperm.xlane v3, v0;
	_ =	sdelay $0x1  }
0x1b: {  	v4 =	vadd.s32 v1, v4;
	_ =	sdelay $0x4  }
0x1c: {  	[tilespmem:s23], [sflag:$0x1] =	stream.indirect_vreg.gather [hbm4b:s3+s1], $0x80, v4, vm0, $0xb8;
	[tilespmem:$0x10080] =	vst v63  }
0x1d: {  	s0 =	simm.s32 $0x880;
	v3 =	vperm.xlane v3, v2  }
0x1e: {  	[tilespmem:s0], [sflag:$0x1] =	stream.indirect_vreg.gather [hbm4b:s4+s1], $0x80, v4, vm0, $0xb8;
	[tilespmem:$0x10080] =	vst v63  }
0x1f: {  	s12 =	simm.s32 $0x1080;
	v3 =	vadd.s32 v1, v3  }
0x20: {  	[tilespmem:s12], [sflag:$0x1] =	stream.indirect_vreg.gather [hbm4b:s5+s1], $0x80, v4, vm0, $0xb8;
	[tilespmem:$0x10080] =	vst v63  }
0x21: {  	s13 =	simm.s32 $0x1880  }
0x22: {  	[tilespmem:s13], [sflag:$0x1] =	stream.indirect_vreg.gather [hbm4b:s6+s1], $0x80, v4, vm0, $0xb8;
	[tilespmem:$0x10080] =	vst v63  }
0x23: {  	s15 =	simm.s32 $0x2080  }
0x24: {  	[tilespmem:s15], [sflag:$0x1] =	stream.indirect_vreg.gather [hbm4b:s3+s1], $0x80, v3, vm0, $0xb8;
	[tilespmem:$0x10080] =	vst v63  }
0x25: {  	s16 =	simm.s32 $0x2880  }
0x26: {  	[tilespmem:s16], [sflag:$0x1] =	stream.indirect_vreg.gather [hbm4b:s4+s1], $0x80, v3, vm0, $0xb8;
	[tilespmem:$0x10080] =	vst v63  }
0x27: {  	s17 =	simm.s32 $0x3080  }
0x28: {  	[tilespmem:s17], [sflag:$0x1] =	stream.indirect_vreg.gather [hbm4b:s5+s1], $0x80, v3, vm0, $0xb8;
	[tilespmem:$0x10080] =	vst v63  }
0x29: {  	s19 =	simm.s32 $0x3880  }
0x2a: {  	[tilespmem:s19], [sflag:$0x1] =	stream.indirect_vreg.gather [hbm4b:s6+s1], $0x80, v3, vm0, $0xb8;
	[tilespmem:$0x10080] =	vst v63  }
0x2b: {  	v3 =	vld [tilespmem:$0x10];
	_ =	sdelay $0x4  }
0x2c: {  	v49 =	vshll.u32 v3, $0x3  }
0x2d: {  	v3 =	vand.u32 $0x7, v3;
	v4 =	vand.u32 $0xFFFFFFC0, v49  }
0x2e: {  	v3 =	vor.u32 v3, v4  }
0x2f: {  	v4 =	vperm.xlane v3, v0;
	_ =	sdelay $0x1  }
0x30: {  	v4 =	vadd.s32 v1, v4;
	_ =	sdelay $0x3  }
0x31: {  	s20 =	simm.s32 $0x4080  }
0x32: {  	[tilespmem:s20], [sflag:$0x1] =	stream.indirect_vreg.gather [hbm4b:s3+s1], $0x80, v4, vm0, $0xb8;
	[tilespmem:$0x10080] =	vst v63  }
0x33: {  	s21 =	simm.s32 $0x4880;
	v3 =	vperm.xlane v3, v2  }
0x34: {  	[tilespmem:s21], [sflag:$0x1] =	stream.indirect_vreg.gather [hbm4b:s4+s1], $0x80, v4, vm0, $0xb8;
	[tilespmem:$0x10080] =	vst v63  }
0x35: {  	s22 =	simm.s32 $0x5080;
	v3 =	vadd.s32 v1, v3  }
0x36: {  	[tilespmem:s22], [sflag:$0x1] =	stream.indirect_vreg.gather [hbm4b:s5+s1], $0x80, v4, vm0, $0xb8;
	[tilespmem:$0x10080] =	vst v63  }
0x37: {  	s24 =	simm.s32 $0x5880  }
0x38: {  	[tilespmem:s24], [sflag:$0x1] =	stream.indirect_vreg.gather [hbm4b:s6+s1], $0x80, v4, vm0, $0xb8;
	[tilespmem:$0x10080] =	vst v63  }
0x39: {  	s25 =	simm.s32 $0x6080  }
0x3a: {  	[tilespmem:s25], [sflag:$0x1] =	stream.indirect_vreg.gather [hbm4b:s3+s1], $0x80, v3, vm0, $0xb8;
	[tilespmem:$0x10080] =	vst v63  }
0x3b: {  	s26 =	simm.s32 $0x6880  }
0x3c: {  	[tilespmem:s26], [sflag:$0x1] =	stream.indirect_vreg.gather [hbm4b:s4+s1], $0x80, v3, vm0, $0xb8;
	[tilespmem:$0x10080] =	vst v63  }
0x3d: {  	s28 =	simm.s32 $0x7080  }
0x3e: {  	[tilespmem:s28], [sflag:$0x1] =	stream.indirect_vreg.gather [hbm4b:s5+s1], $0x80, v3, vm0, $0xb8;
	[tilespmem:$0x10080] =	vst v63  }
0x3f: {  	s29 =	simm.s32 $0x7880  }
0x40: {  	[tilespmem:s29], [sflag:$0x1] =	stream.indirect_vreg.gather [hbm4b:s6+s1], $0x80, v3, vm0, $0xb8;
	[tilespmem:$0x10080] =	vst v63  }
0x41: {  	v3 =	vld [tilespmem:$0x20];
	_ =	sdelay $0x4  }
0x42: {  	v50 =	vshll.u32 v3, $0x3  }
0x43: {  	v3 =	vand.u32 $0x7, v3;
	v4 =	vand.u32 $0xFFFFFFC0, v50  }
0x44: {  	v3 =	vor.u32 v3, v4  }
0x45: {  	v4 =	vperm.xlane v3, v0;
	_ =	sdelay $0x1  }
0x46: {  	v4 =	vadd.s32 v1, v4;
	_ =	sdelay $0x3  }
0x47: {  	s30 =	simm.s32 $0x8080  }
0x48: {  	[tilespmem:s30], [sflag:$0x1] =	stream.indirect_vreg.gather [hbm4b:s3+s1], $0x80, v4, vm0, $0xb8;
	[tilespmem:$0x10080] =	vst v63  }
0x49: {  	s16 =	simm.s32 $0x8880;
	v3 =	vperm.xlane v3, v2  }
0x4a: {  	[tilespmem:s16], [sflag:$0x1] =	stream.indirect_vreg.gather [hbm4b:s4+s1], $0x80, v4, vm0, $0xb8;
	[tilespmem:$0x10080] =	vst v63  }
0x4b: {  	s17 =	simm.s32 $0x9080;
	v3 =	vadd.s32 v1, v3  }
0x4c: {  	[tilespmem:s17], [sflag:$0x1] =	stream.indirect_vreg.gather [hbm4b:s5+s1], $0x80, v4, vm0, $0xb8;
	[tilespmem:$0x10080] =	vst v63  }
0x4d: {  	s19 =	simm.s32 $0x9880  }
0x4e: {  	[tilespmem:s19], [sflag:$0x1] =	stream.indirect_vreg.gather [hbm4b:s6+s1], $0x80, v4, vm0, $0xb8;
	[tilespmem:$0x10080] =	vst v63  }
0x4f: {  	s20 =	simm.s32 $0xA080  }
0x50: {  	[tilespmem:s20], [sflag:$0x1] =	stream.indirect_vreg.gather [hbm4b:s3+s1], $0x80, v3, vm0, $0xb8;
	[tilespmem:$0x10080] =	vst v63  }
0x51: {  	s21 =	simm.s32 $0xA880  }
0x52: {  	[tilespmem:s21], [sflag:$0x1] =	stream.indirect_vreg.gather [hbm4b:s4+s1], $0x80, v3, vm0, $0xb8;
	[tilespmem:$0x10080] =	vst v63  }
0x53: {  	s22 =	simm.s32 $0xB080  }
0x54: {  	[tilespmem:s22], [sflag:$0x1] =	stream.indirect_vreg.gather [hbm4b:s5+s1], $0x80, v3, vm0, $0xb8;
	[tilespmem:$0x10080] =	vst v63  }
0x55: {  	s24 =	simm.s32 $0xB880  }
0x56: {  	[tilespmem:s24], [sflag:$0x1] =	stream.indirect_vreg.gather [hbm4b:s6+s1], $0x80, v3, vm0, $0xb8;
	[tilespmem:$0x10080] =	vst v63  }
0x57: {  	v3 =	vld [tilespmem:$0x30];
	_ =	sdelay $0x4  }
0x58: {  	v51 =	vshll.u32 v3, $0x3  }
0x59: {  	v3 =	vand.u32 $0x7, v3;
	v4 =	vand.u32 $0xFFFFFFC0, v51  }
0x5a: {  	v3 =	vor.u32 v3, v4  }
0x5b: {  	v4 =	vperm.xlane v3, v0;
	_ =	sdelay $0x1  }
0x5c: {  	v4 =	vadd.s32 v1, v4;
	_ =	sdelay $0x3  }
0x5d: {  	s25 =	simm.s32 $0xC080  }
0x5e: {  	[tilespmem:s25], [sflag:$0x1] =	stream.indirect_vreg.gather [hbm4b:s3+s1], $0x80, v4, vm0, $0xb8;
	[tilespmem:$0x10080] =	vst v63  }
0x5f: {  	s26 =	simm.s32 $0xC880;
	v3 =	vperm.xlane v3, v2  }
0x60: {  	[tilespmem:s26], [sflag:$0x1] =	stream.indirect_vreg.gather [hbm4b:s4+s1], $0x80, v4, vm0, $0xb8;
	[tilespmem:$0x10080] =	vst v63  }
0x61: {  	s29 =	simm.s32 $0xD080;
	v3 =	vadd.s32 v1, v3  }
0x62: {  	[tilespmem:s29], [sflag:$0x1] =	stream.indirect_vreg.gather [hbm4b:s5+s1], $0x80, v4, vm0, $0xb8;
	[tilespmem:$0x10080] =	vst v63  }
0x63: {  	s0 =	simm.s32 $0xD880  }
0x64: {  	[tilespmem:s0], [sflag:$0x1] =	stream.indirect_vreg.gather [hbm4b:s6+s1], $0x80, v4, vm0, $0xb8;
	[tilespmem:$0x10080] =	vst v63  }
0x65: {  	s16 =	simm.s32 $0xE080  }
0x66: {  	[tilespmem:s16], [sflag:$0x1] =	stream.indirect_vreg.gather [hbm4b:s3+s1], $0x80, v3, vm0, $0xb8;
	[tilespmem:$0x10080] =	vst v63  }
0x67: {  	s17 =	simm.s32 $0xE880  }
0x68: {  	[tilespmem:s17], [sflag:$0x1] =	stream.indirect_vreg.gather [hbm4b:s4+s1], $0x80, v3, vm0, $0xb8;
	[tilespmem:$0x10080] =	vst v63  }
0x69: {  	s24 =	simm.s32 $0xF080  }
0x6a: {  	[tilespmem:s24], [sflag:$0x1] =	stream.indirect_vreg.gather [hbm4b:s5+s1], $0x80, v3, vm0, $0xb8;
	[tilespmem:$0x10080] =	vst v63  }
0x6b: {  	s25 =	simm.s32 $0xF880  }
0x6c: {  	[tilespmem:s25], [sflag:$0x1] =	stream.indirect_vreg.gather [hbm4b:s6+s1], $0x80, v3, vm0, $0xb8;
	[tilespmem:$0x10080] =	vst v63  }
0x6d: {  	_ =	swait.ge [sflag:s18], $0x10000  }
0x6e: {  	[sflag:s18] =	ssyncset.done $0x0  }
0x6f: {  	s0 =	rddreg [dreg:$0x3];
	[sflag:s18] =	ssyncadd.s32 $0xFFFF0000  }
0x70: {  	[hbm4b:s0+s1] =	stream.linear.scatter [tilespmem:s23], [sflag:$0x2], $0x10000, $0x38;
	[tilespmem:$0x10080] =	vst v63  }
0x71: {  	_ =	swait.ge [sflag:s8], $0x10000  }
0x72: {  	[sflag:s8] =	ssyncset.done $0x0  }
0x73: {  	s16 =	rddreg [dreg:$0x4];
	[sflag:s8] =	ssyncadd.s32 $0xFFFF0000  }
0x74: {  	[tilespmem:s1], [sflag:$0x2] =	stream.linear.gather [hbm4b:s16+s1], $0x40, $0x38;
	[tilespmem:$0x10080] =	vst v63  }
0x75: {  	_ =	swait.ge [sflag:s8], $0x40  }
0x76: {  	[sflag:s8] =	ssyncset.done $0x0  }
0x77: {  	[sflag:s8] =	ssyncadd.s32 $0xFFFFFFC0  }
0x78: {  	v3 =	vld [tilespmem:$0x0];
	_ =	sdelay $0x4  }
0x79: {  	v52 =	vshll.u32 v3, $0x3  }
0x7a: {  	v3 =	vand.u32 $0x7, v3;
	v4 =	vand.u32 $0xFFFFFFC0, v52  }
0x7b: {  	v3 =	vor.u32 v3, v4  }
0x7c: {  	v4 =	vperm.xlane v3, v0;
	_ =	sdelay $0x1  }
0x7d: {  	v4 =	vadd.s32 v1, v4;
	_ =	sdelay $0x4  }
0x7e: {  	[tilespmem:s23], [sflag:$0x1] =	stream.indirect_vreg.gather [hbm4b:s3+s1], $0x80, v4, vm0, $0xb8;
	[tilespmem:$0x10080] =	vst v63  }
0x7f: {  	s14 =	simm.s32 $0x880;
	v3 =	vperm.xlane v3, v2  }
0x80: {  	[tilespmem:s14], [sflag:$0x1] =	stream.indirect_vreg.gather [hbm4b:s4+s1], $0x80, v4, vm0, $0xb8;
	[tilespmem:$0x10080] =	vst v63  }
0x81: {  	s2 =	simm.s32 $0x1080;
	v3 =	vadd.s32 v1, v3  }
0x82: {  	[tilespmem:s2], [sflag:$0x1] =	stream.indirect_vreg.gather [hbm4b:s5+s1], $0x80, v4, vm0, $0xb8;
	[tilespmem:$0x10080] =	vst v63  }
0x83: {  	s9 =	simm.s32 $0x1880  }
0x84: {  	[tilespmem:s9], [sflag:$0x1] =	stream.indirect_vreg.gather [hbm4b:s6+s1], $0x80, v4, vm0, $0xb8;
	[tilespmem:$0x10080] =	vst v63  }
0x85: {  	s10 =	simm.s32 $0x2080  }
0x86: {  	[tilespmem:s10], [sflag:$0x1] =	stream.indirect_vreg.gather [hbm4b:s3+s1], $0x80, v3, vm0, $0xb8;
	[tilespmem:$0x10080] =	vst v63  }
0x87: {  	s11 =	simm.s32 $0x2880  }
0x88: {  	[tilespmem:s11], [sflag:$0x1] =	stream.indirect_vreg.gather [hbm4b:s4+s1], $0x80, v3, vm0, $0xb8;
	[tilespmem:$0x10080] =	vst v63  }
0x89: {  	s12 =	simm.s32 $0x3080  }
0x8a: {  	[tilespmem:s12], [sflag:$0x1] =	stream.indirect_vreg.gather [hbm4b:s5+s1], $0x80, v3, vm0, $0xb8;
	[tilespmem:$0x10080] =	vst v63  }
0x8b: {  	s15 =	simm.s32 $0x3880  }
0x8c: {  	[tilespmem:s15], [sflag:$0x1] =	stream.indirect_vreg.gather [hbm4b:s6+s1], $0x80, v3, vm0, $0xb8;
	[tilespmem:$0x10080] =	vst v63  }
0x8d: {  	v3 =	vld [tilespmem:$0x10];
	_ =	sdelay $0x4  }
0x8e: {  	v53 =	vshll.u32 v3, $0x3  }
0x8f: {  	v3 =	vand.u32 $0x7, v3;
	v4 =	vand.u32 $0xFFFFFFC0, v53  }
0x90: {  	v3 =	vor.u32 v3, v4  }
0x91: {  	v4 =	vperm.xlane v3, v0;
	_ =	sdelay $0x1  }
0x92: {  	v4 =	vadd.s32 v1, v4;
	_ =	sdelay $0x3  }
0x93: {  	s16 =	simm.s32 $0x4080  }
0x94: {  	[tilespmem:s16], [sflag:$0x1] =	stream.indirect_vreg.gather [hbm4b:s3+s1], $0x80, v4, vm0, $0xb8;
	[tilespmem:$0x10080] =	vst v63  }
0x95: {  	s31 =	simm.s32 $0x4880;
	v3 =	vperm.xlane v3, v2  }
0x96: {  	[tilespmem:s31], [sflag:$0x1] =	stream.indirect_vreg.gather [hbm4b:s4+s1], $0x80, v4, vm0, $0xb8;
	[tilespmem:$0x10080] =	vst v63  }
0x97: {  	s13 =	simm.s32 $0x5080;
	v3 =	vadd.s32 v1, v3  }
0x98: {  	[tilespmem:s13], [sflag:$0x1] =	stream.indirect_vreg.gather [hbm4b:s5+s1], $0x80, v4, vm0, $0xb8;
	[tilespmem:$0x10080] =	vst v63  }
0x99: {  	s31 =	simm.s32 $0x5880  }
0x9a: {  	[tilespmem:s31], [sflag:$0x1] =	stream.indirect_vreg.gather [hbm4b:s6+s1], $0x80, v4, vm0, $0xb8;
	[tilespmem:$0x10080] =	vst v63  }
0x9b: {  	s0 =	simm.s32 $0x6080  }
0x9c: {  	[tilespmem:s0], [sflag:$0x1] =	stream.indirect_vreg.gather [hbm4b:s3+s1], $0x80, v3, vm0, $0xb8;
	[tilespmem:$0x10080] =	vst v63  }
0x9d: {  	s2 =	simm.s32 $0x6880  }
0x9e: {  	[tilespmem:s2], [sflag:$0x1] =	stream.indirect_vreg.gather [hbm4b:s4+s1], $0x80, v3, vm0, $0xb8;
	[tilespmem:$0x10080] =	vst v63  }
0x9f: {  	s9 =	simm.s32 $0x7080  }
0xa0: {  	[tilespmem:s9], [sflag:$0x1] =	stream.indirect_vreg.gather [hbm4b:s5+s1], $0x80, v3, vm0, $0xb8;
	[tilespmem:$0x10080] =	vst v63  }
0xa1: {  	s13 =	simm.s32 $0x7880  }
0xa2: {  	[tilespmem:s13], [sflag:$0x1] =	stream.indirect_vreg.gather [hbm4b:s6+s1], $0x80, v3, vm0, $0xb8;
	[tilespmem:$0x10080] =	vst v63  }
0xa3: {  	v3 =	vld [tilespmem:$0x20];
	_ =	sdelay $0x4  }
0xa4: {  	v54 =	vshll.u32 v3, $0x3  }
0xa5: {  	v3 =	vand.u32 $0x7, v3;
	v4 =	vand.u32 $0xFFFFFFC0, v54  }
0xa6: {  	v3 =	vor.u32 v3, v4  }
0xa7: {  	v4 =	vperm.xlane v3, v0;
	_ =	sdelay $0x1  }
0xa8: {  	v4 =	vadd.s32 v1, v4;
	_ =	sdelay $0x3  }
0xa9: {  	s14 =	simm.s32 $0x8080  }
0xaa: {  	[tilespmem:s14], [sflag:$0x1] =	stream.indirect_vreg.gather [hbm4b:s3+s1], $0x80, v4, vm0, $0xb8;
	[tilespmem:$0x10080] =	vst v63  }
0xab: {  	s15 =	simm.s32 $0x8880;
	v3 =	vperm.xlane v3, v2  }
0xac: {  	[tilespmem:s15], [sflag:$0x1] =	stream.indirect_vreg.gather [hbm4b:s4+s1], $0x80, v4, vm0, $0xb8;
	[tilespmem:$0x10080] =	vst v63  }
0xad: {  	s10 =	simm.s32 $0x9080;
	v3 =	vadd.s32 v1, v3  }
0xae: {  	[tilespmem:s10], [sflag:$0x1] =	stream.indirect_vreg.gather [hbm4b:s5+s1], $0x80, v4, vm0, $0xb8;
	[tilespmem:$0x10080] =	vst v63  }
0xaf: {  	s11 =	simm.s32 $0x9880  }
0xb0: {  	[tilespmem:s11], [sflag:$0x1] =	stream.indirect_vreg.gather [hbm4b:s6+s1], $0x80, v4, vm0, $0xb8;
	[tilespmem:$0x10080] =	vst v63  }
0xb1: {  	s12 =	simm.s32 $0xA080  }
0xb2: {  	[tilespmem:s12], [sflag:$0x1] =	stream.indirect_vreg.gather [hbm4b:s3+s1], $0x80, v3, vm0, $0xb8;
	[tilespmem:$0x10080] =	vst v63  }
0xb3: {  	s30 =	simm.s32 $0xA880  }
0xb4: {  	[tilespmem:s30], [sflag:$0x1] =	stream.indirect_vreg.gather [hbm4b:s4+s1], $0x80, v3, vm0, $0xb8;
	[tilespmem:$0x10080] =	vst v63  }
0xb5: {  	s28 =	simm.s32 $0xB080  }
0xb6: {  	[tilespmem:s28], [sflag:$0x1] =	stream.indirect_vreg.gather [hbm4b:s5+s1], $0x80, v3, vm0, $0xb8;
	[tilespmem:$0x10080] =	vst v63  }
0xb7: {  	s20 =	simm.s32 $0xB880  }
0xb8: {  	[tilespmem:s20], [sflag:$0x1] =	stream.indirect_vreg.gather [hbm4b:s6+s1], $0x80, v3, vm0, $0xb8;
	[tilespmem:$0x10080] =	vst v63  }
0xb9: {  	v3 =	vld [tilespmem:$0x30];
	_ =	sdelay $0x4  }
0xba: {  	v55 =	vshll.u32 v3, $0x3  }
0xbb: {  	v3 =	vand.u32 $0x7, v3;
	v4 =	vand.u32 $0xFFFFFFC0, v55  }
0xbc: {  	v3 =	vor.u32 v3, v4  }
0xbd: {  	v4 =	vperm.xlane v3, v0;
	_ =	sdelay $0x1  }
0xbe: {  	v4 =	vadd.s32 v1, v4;
	_ =	sdelay $0x3  }
0xbf: {  	s21 =	simm.s32 $0xC080  }
0xc0: {  	[tilespmem:s21], [sflag:$0x1] =	stream.indirect_vreg.gather [hbm4b:s3+s1], $0x80, v4, vm0, $0xb8;
	[tilespmem:$0x10080] =	vst v63  }
0xc1: {  	s22 =	simm.s32 $0xC880;
	v3 =	vperm.xlane v3, v2  }
0xc2: {  	[tilespmem:s22], [sflag:$0x1] =	stream.indirect_vreg.gather [hbm4b:s4+s1], $0x80, v4, vm0, $0xb8;
	[tilespmem:$0x10080] =	vst v63  }
0xc3: {  	v3 =	vadd.s32 v1, v3;
	s22 =	simm.s32 $0xD080  }
0xc4: {  	[tilespmem:s22], [sflag:$0x1] =	stream.indirect_vreg.gather [hbm4b:s5+s1], $0x80, v4, vm0, $0xb8;
	[tilespmem:$0x10080] =	vst v63  }
0xc5: {  	s26 =	simm.s32 $0xD880  }
0xc6: {  	[tilespmem:s26], [sflag:$0x1] =	stream.indirect_vreg.gather [hbm4b:s6+s1], $0x80, v4, vm0, $0xb8;
	[tilespmem:$0x10080] =	vst v63  }
0xc7: {  	s29 =	simm.s32 $0xE080  }
0xc8: {  	[tilespmem:s29], [sflag:$0x1] =	stream.indirect_vreg.gather [hbm4b:s3+s1], $0x80, v3, vm0, $0xb8;
	[tilespmem:$0x10080] =	vst v63  }
0xc9: {  	s26 =	simm.s32 $0xE880  }
0xca: {  	[tilespmem:s26], [sflag:$0x1] =	stream.indirect_vreg.gather [hbm4b:s4+s1], $0x80, v3, vm0, $0xb8;
	[tilespmem:$0x10080] =	vst v63  }
0xcb: {  	s30 =	simm.s32 $0xF080  }
0xcc: {  	[tilespmem:s30], [sflag:$0x1] =	stream.indirect_vreg.gather [hbm4b:s5+s1], $0x80, v3, vm0, $0xb8;
	[tilespmem:$0x10080] =	vst v63  }
0xcd: {  	s17 =	simm.s32 $0xF880  }
0xce: {  	[tilespmem:s17], [sflag:$0x1] =	stream.indirect_vreg.gather [hbm4b:s6+s1], $0x80, v3, vm0, $0xb8;
	[tilespmem:$0x10080] =	vst v63  }
0xcf: {  	_ =	swait.ge [sflag:s18], $0x10000  }
0xd0: {  	[sflag:s18] =	ssyncset.done $0x0  }
0xd1: {  	s21 =	rddreg [dreg:$0x5];
	[sflag:s18] =	ssyncadd.s32 $0xFFFF0000  }
0xd2: {  	[hbm4b:s21+s1] =	stream.linear.scatter [tilespmem:s23], [sflag:$0x2], $0x10000, $0x38;
	[tilespmem:$0x10080] =	vst v63  }
0xd3: {  	_ =	swait.ge [sflag:s8], $0x10000  }
0xd4: {  	[sflag:s8] =	ssyncset.done $0x0  }
0xd5: {  	s17 =	rddreg [dreg:$0x6];
	[sflag:s8] =	ssyncadd.s32 $0xFFFF0000  }
0xd6: {  	[tilespmem:s1], [sflag:$0x2] =	stream.linear.gather [hbm4b:s17+s1], $0x40, $0x38;
	[tilespmem:$0x10080] =	vst v63  }
0xd7: {  	_ =	swait.ge [sflag:s8], $0x40  }
0xd8: {  	[sflag:s8] =	ssyncset.done $0x0  }
0xd9: {  	[sflag:s8] =	ssyncadd.s32 $0xFFFFFFC0  }
0xda: {  	v3 =	vld [tilespmem:$0x0];
	_ =	sdelay $0x4  }
0xdb: {  	v56 =	vshll.u32 v3, $0x3  }
0xdc: {  	v3 =	vand.u32 $0x7, v3;
	v4 =	vand.u32 $0xFFFFFFC0, v56  }
0xdd: {  	v3 =	vor.u32 v3, v4  }
0xde: {  	v4 =	vperm.xlane v3, v0;
	_ =	sdelay $0x1  }
0xdf: {  	v4 =	vadd.s32 v1, v4;
	_ =	sdelay $0x4  }
0xe0: {  	[tilespmem:s23], [sflag:$0x1] =	stream.indirect_vreg.gather [hbm4b:s3+s1], $0x80, v4, vm0, $0xb8;
	[tilespmem:$0x10080] =	vst v63  }
0xe1: {  	s21 =	simm.s32 $0x880;
	v3 =	vperm.xlane v3, v2  }
0xe2: {  	[tilespmem:s21], [sflag:$0x1] =	stream.indirect_vreg.gather [hbm4b:s4+s1], $0x80, v4, vm0, $0xb8;
	[tilespmem:$0x10080] =	vst v63  }
0xe3: {  	s25 =	simm.s32 $0x1080;
	v3 =	vadd.s32 v1, v3  }
0xe4: {  	[tilespmem:s25], [sflag:$0x1] =	stream.indirect_vreg.gather [hbm4b:s5+s1], $0x80, v4, vm0, $0xb8;
	[tilespmem:$0x10080] =	vst v63  }
0xe5: {  	s25 =	simm.s32 $0x1880  }
0xe6: {  	[tilespmem:s25], [sflag:$0x1] =	stream.indirect_vreg.gather [hbm4b:s6+s1], $0x80, v4, vm0, $0xb8;
	[tilespmem:$0x10080] =	vst v63  }
0xe7: {  	s19 =	simm.s32 $0x2080  }
0xe8: {  	[tilespmem:s19], [sflag:$0x1] =	stream.indirect_vreg.gather [hbm4b:s3+s1], $0x80, v3, vm0, $0xb8;
	[tilespmem:$0x10080] =	vst v63  }
0xe9: {  	s25 =	simm.s32 $0x2880  }
0xea: {  	[tilespmem:s25], [sflag:$0x1] =	stream.indirect_vreg.gather [hbm4b:s4+s1], $0x80, v3, vm0, $0xb8;
	[tilespmem:$0x10080] =	vst v63  }
0xeb: {  	s19 =	simm.s32 $0x3080  }
0xec: {  	[tilespmem:s19], [sflag:$0x1] =	stream.indirect_vreg.gather [hbm4b:s5+s1], $0x80, v3, vm0, $0xb8;
	[tilespmem:$0x10080] =	vst v63  }
0xed: {  	s25 =	simm.s32 $0x3880  }
0xee: {  	[tilespmem:s25], [sflag:$0x1] =	stream.indirect_vreg.gather [hbm4b:s6+s1], $0x80, v3, vm0, $0xb8;
	[tilespmem:$0x10080] =	vst v63  }
0xef: {  	v3 =	vld [tilespmem:$0x10];
	_ =	sdelay $0x4  }
0xf0: {  	v57 =	vshll.u32 v3, $0x3  }
0xf1: {  	v3 =	vand.u32 $0x7, v3;
	v4 =	vand.u32 $0xFFFFFFC0, v57  }
0xf2: {  	v3 =	vor.u32 v3, v4  }
0xf3: {  	v4 =	vperm.xlane v3, v0;
	_ =	sdelay $0x1  }
0xf4: {  	v4 =	vadd.s32 v1, v4;
	_ =	sdelay $0x4  }
0xf5: {  	[tilespmem:s16], [sflag:$0x1] =	stream.indirect_vreg.gather [hbm4b:s3+s1], $0x80, v4, vm0, $0xb8;
	[tilespmem:$0x10080] =	vst v63  }
0xf6: {  	s19 =	simm.s32 $0x4880;
	v3 =	vperm.xlane v3, v2  }
0xf7: {  	[tilespmem:s19], [sflag:$0x1] =	stream.indirect_vreg.gather [hbm4b:s4+s1], $0x80, v4, vm0, $0xb8;
	[tilespmem:$0x10080] =	vst v63  }
0xf8: {  	s25 =	simm.s32 $0x5080;
	v3 =	vadd.s32 v1, v3  }
0xf9: {  	[tilespmem:s25], [sflag:$0x1] =	stream.indirect_vreg.gather [hbm4b:s5+s1], $0x80, v4, vm0, $0xb8;
	[tilespmem:$0x10080] =	vst v63  }
0xfa: {  	_ = 	snop  }
0xfb: {  	[tilespmem:s31], [sflag:$0x1] =	stream.indirect_vreg.gather [hbm4b:s6+s1], $0x80, v4, vm0, $0xb8;
	[tilespmem:$0x10080] =	vst v63  }
0xfc: {  	_ = 	snop  }
0xfd: {  	[tilespmem:s0], [sflag:$0x1] =	stream.indirect_vreg.gather [hbm4b:s3+s1], $0x80, v3, vm0, $0xb8;
	[tilespmem:$0x10080] =	vst v63  }
0xfe: {  	_ = 	snop  }
0xff: {  	[tilespmem:s2], [sflag:$0x1] =	stream.indirect_vreg.gather [hbm4b:s4+s1], $0x80, v3, vm0, $0xb8;
	[tilespmem:$0x10080] =	vst v63  }
0x100: {  	_ = 	snop  }
0x101: {  	[tilespmem:s9], [sflag:$0x1] =	stream.indirect_vreg.gather [hbm4b:s5+s1], $0x80, v3, vm0, $0xb8;
	[tilespmem:$0x10080] =	vst v63  }
0x102: {  	_ = 	snop  }
0x103: {  	[tilespmem:s13], [sflag:$0x1] =	stream.indirect_vreg.gather [hbm4b:s6+s1], $0x80, v3, vm0, $0xb8;
	[tilespmem:$0x10080] =	vst v63  }
0x104: {  	v3 =	vld [tilespmem:$0x20];
	_ =	sdelay $0x4  }
0x105: {  	v58 =	vshll.u32 v3, $0x3  }
0x106: {  	v3 =	vand.u32 $0x7, v3;
	v4 =	vand.u32 $0xFFFFFFC0, v58  }
0x107: {  	v3 =	vor.u32 v3, v4  }
0x108: {  	v4 =	vperm.xlane v3, v0;
	_ =	sdelay $0x1  }
0x109: {  	v4 =	vadd.s32 v1, v4;
	_ =	sdelay $0x4  }
0x10a: {  	[tilespmem:s14], [sflag:$0x1] =	stream.indirect_vreg.gather [hbm4b:s3+s1], $0x80, v4, vm0, $0xb8;
	[tilespmem:$0x10080] =	vst v63  }
0x10b: {  	v3 =	vperm.xlane v3, v2  }
0x10c: {  	[tilespmem:s15], [sflag:$0x1] =	stream.indirect_vreg.gather [hbm4b:s4+s1], $0x80, v4, vm0, $0xb8;
	[tilespmem:$0x10080] =	vst v63  }
0x10d: {  	v3 =	vadd.s32 v1, v3  }
0x10e: {  	[tilespmem:s10], [sflag:$0x1] =	stream.indirect_vreg.gather [hbm4b:s5+s1], $0x80, v4, vm0, $0xb8;
	[tilespmem:$0x10080] =	vst v63  }
0x10f: {  	_ = 	snop  }
0x110: {  	[tilespmem:s11], [sflag:$0x1] =	stream.indirect_vreg.gather [hbm4b:s6+s1], $0x80, v4, vm0, $0xb8;
	[tilespmem:$0x10080] =	vst v63  }
0x111: {  	_ = 	snop  }
0x112: {  	[tilespmem:s12], [sflag:$0x1] =	stream.indirect_vreg.gather [hbm4b:s3+s1], $0x80, v3, vm0, $0xb8;
	[tilespmem:$0x10080] =	vst v63  }
0x113: {  	s24 =	simm.s32 $0xA880  }
0x114: {  	[tilespmem:s24], [sflag:$0x1] =	stream.indirect_vreg.gather [hbm4b:s4+s1], $0x80, v3, vm0, $0xb8;
	[tilespmem:$0x10080] =	vst v63  }
0x115: {  	s28 =	simm.s32 $0xB080  }
0x116: {  	[tilespmem:s28], [sflag:$0x1] =	stream.indirect_vreg.gather [hbm4b:s5+s1], $0x80, v3, vm0, $0xb8;
	[tilespmem:$0x10080] =	vst v63  }
0x117: {  	s28 =	simm.s32 $0xB880  }
0x118: {  	[tilespmem:s28], [sflag:$0x1] =	stream.indirect_vreg.gather [hbm4b:s6+s1], $0x80, v3, vm0, $0xb8;
	[tilespmem:$0x10080] =	vst v63  }
0x119: {  	v3 =	vld [tilespmem:$0x30];
	_ =	sdelay $0x4  }
0x11a: {  	v59 =	vshll.u32 v3, $0x3  }
0x11b: {  	v3 =	vand.u32 $0x7, v3;
	v4 =	vand.u32 $0xFFFFFFC0, v59  }
0x11c: {  	v3 =	vor.u32 v3, v4  }
0x11d: {  	v4 =	vperm.xlane v3, v0;
	_ =	sdelay $0x1  }
0x11e: {  	v4 =	vadd.s32 v1, v4;
	_ =	sdelay $0x3  }
0x11f: {  	s24 =	simm.s32 $0xC080  }
0x120: {  	[tilespmem:s24], [sflag:$0x1] =	stream.indirect_vreg.gather [hbm4b:s3+s1], $0x80, v4, vm0, $0xb8;
	[tilespmem:$0x10080] =	vst v63  }
0x121: {  	s25 =	simm.s32 $0xC880;
	v3 =	vperm.xlane v3, v2  }
0x122: {  	[tilespmem:s25], [sflag:$0x1] =	stream.indirect_vreg.gather [hbm4b:s4+s1], $0x80, v4, vm0, $0xb8;
	[tilespmem:$0x10080] =	vst v63  }
0x123: {  	s20 =	simm.s32 $0xD080;
	v3 =	vadd.s32 v1, v3  }
0x124: {  	[tilespmem:s20], [sflag:$0x1] =	stream.indirect_vreg.gather [hbm4b:s5+s1], $0x80, v4, vm0, $0xb8;
	[tilespmem:$0x10080] =	vst v63  }
0x125: {  	s22 =	simm.s32 $0xD880  }
0x126: {  	[tilespmem:s22], [sflag:$0x1] =	stream.indirect_vreg.gather [hbm4b:s6+s1], $0x80, v4, vm0, $0xb8;
	[tilespmem:$0x10080] =	vst v63  }
0x127: {  	s29 =	simm.s32 $0xE080  }
0x128: {  	[tilespmem:s29], [sflag:$0x1] =	stream.indirect_vreg.gather [hbm4b:s3+s1], $0x80, v3, vm0, $0xb8;
	[tilespmem:$0x10080] =	vst v63  }
0x129: {  	s26 =	simm.s32 $0xE880  }
0x12a: {  	[tilespmem:s26], [sflag:$0x1] =	stream.indirect_vreg.gather [hbm4b:s4+s1], $0x80, v3, vm0, $0xb8;
	[tilespmem:$0x10080] =	vst v63  }
0x12b: {  	s30 =	simm.s32 $0xF080  }
0x12c: {  	[tilespmem:s30], [sflag:$0x1] =	stream.indirect_vreg.gather [hbm4b:s5+s1], $0x80, v3, vm0, $0xb8;
	[tilespmem:$0x10080] =	vst v63  }
0x12d: {  	s26 =	simm.s32 $0xF880  }
0x12e: {  	[tilespmem:s26], [sflag:$0x1] =	stream.indirect_vreg.gather [hbm4b:s6+s1], $0x80, v3, vm0, $0xb8;
	[tilespmem:$0x10080] =	vst v63  }
0x12f: {  	_ =	swait.ge [sflag:s18], $0x10000  }
0x130: {  	[sflag:s18] =	ssyncset.done $0x0  }
0x131: {  	s29 =	rddreg [dreg:$0x7];
	[sflag:s18] =	ssyncadd.s32 $0xFFFF0000  }
0x132: {  	[hbm4b:s29+s1] =	stream.linear.scatter [tilespmem:s23], [sflag:$0x2], $0x10000, $0x38;
	[tilespmem:$0x10080] =	vst v63  }
0x133: {  	_ =	swait.ge [sflag:s8], $0x10000  }
0x134: {  	[sflag:s8] =	ssyncset.done $0x0  }
0x135: {  	s30 =	rddreg [dreg:$0x8];
	[sflag:s8] =	ssyncadd.s32 $0xFFFF0000  }
0x136: {  	[tilespmem:s1], [sflag:$0x2] =	stream.linear.gather [hbm4b:s30+s1], $0x40, $0x38;
	[tilespmem:$0x10080] =	vst v63  }
0x137: {  	_ =	swait.ge [sflag:s8], $0x40  }
0x138: {  	[sflag:s8] =	ssyncset.done $0x0  }
0x139: {  	[sflag:s8] =	ssyncadd.s32 $0xFFFFFFC0  }
0x13a: {  	v3 =	vld [tilespmem:$0x0];
	_ =	sdelay $0x4  }
0x13b: {  	v60 =	vshll.u32 v3, $0x3  }
0x13c: {  	v3 =	vand.u32 $0x7, v3;
	v4 =	vand.u32 $0xFFFFFFC0, v60  }
0x13d: {  	v3 =	vor.u32 v3, v4  }
0x13e: {  	v4 =	vperm.xlane v3, v0;
	_ =	sdelay $0x1  }
0x13f: {  	v4 =	vadd.s32 v1, v4;
	_ =	sdelay $0x4  }
0x140: {  	[tilespmem:s23], [sflag:$0x1] =	stream.indirect_vreg.gather [hbm4b:s3+s1], $0x80, v4, vm0, $0xb8;
	[tilespmem:$0x10080] =	vst v63  }
0x141: {  	s29 =	simm.s32 $0x880;
	v3 =	vperm.xlane v3, v2  }
0x142: {  	[tilespmem:s29], [sflag:$0x1] =	stream.indirect_vreg.gather [hbm4b:s4+s1], $0x80, v4, vm0, $0xb8;
	[tilespmem:$0x10080] =	vst v63  }
0x143: {  	s21 =	simm.s32 $0x1080;
	v3 =	vadd.s32 v1, v3  }
0x144: {  	[tilespmem:s21], [sflag:$0x1] =	stream.indirect_vreg.gather [hbm4b:s5+s1], $0x80, v4, vm0, $0xb8;
	[tilespmem:$0x10080] =	vst v63  }
0x145: {  	s30 =	simm.s32 $0x1880  }
0x146: {  	[tilespmem:s30], [sflag:$0x1] =	stream.indirect_vreg.gather [hbm4b:s6+s1], $0x80, v4, vm0, $0xb8;
	[tilespmem:$0x10080] =	vst v63  }
0x147: {  	s21 =	simm.s32 $0x2080  }
0x148: {  	[tilespmem:s21], [sflag:$0x1] =	stream.indirect_vreg.gather [hbm4b:s3+s1], $0x80, v3, vm0, $0xb8;
	[tilespmem:$0x10080] =	vst v63  }
0x149: {  	s29 =	simm.s32 $0x2880  }
0x14a: {  	[tilespmem:s29], [sflag:$0x1] =	stream.indirect_vreg.gather [hbm4b:s4+s1], $0x80, v3, vm0, $0xb8;
	[tilespmem:$0x10080] =	vst v63  }
0x14b: {  	s30 =	simm.s32 $0x3080  }
0x14c: {  	[tilespmem:s30], [sflag:$0x1] =	stream.indirect_vreg.gather [hbm4b:s5+s1], $0x80, v3, vm0, $0xb8;
	[tilespmem:$0x10080] =	vst v63  }
0x14d: {  	s21 =	simm.s32 $0x3880  }
0x14e: {  	[tilespmem:s21], [sflag:$0x1] =	stream.indirect_vreg.gather [hbm4b:s6+s1], $0x80, v3, vm0, $0xb8;
	[tilespmem:$0x10080] =	vst v63  }
0x14f: {  	v3 =	vld [tilespmem:$0x10];
	_ =	sdelay $0x4  }
0x150: {  	v61 =	vshll.u32 v3, $0x3  }
0x151: {  	v3 =	vand.u32 $0x7, v3;
	v4 =	vand.u32 $0xFFFFFFC0, v61  }
0x152: {  	v3 =	vor.u32 v3, v4  }
0x153: {  	v4 =	vperm.xlane v3, v0;
	_ =	sdelay $0x1  }
0x154: {  	v4 =	vadd.s32 v1, v4;
	_ =	sdelay $0x3  }
0x155: {  	s16 =	simm.s32 $0x4080  }
0x156: {  	[tilespmem:s16], [sflag:$0x1] =	stream.indirect_vreg.gather [hbm4b:s3+s1], $0x80, v4, vm0, $0xb8;
	[tilespmem:$0x10080] =	vst v63  }
0x157: {  	s29 =	simm.s32 $0x4880;
	v3 =	vperm.xlane v3, v2  }
0x158: {  	[tilespmem:s29], [sflag:$0x1] =	stream.indirect_vreg.gather [hbm4b:s4+s1], $0x80, v4, vm0, $0xb8;
	[tilespmem:$0x10080] =	vst v63  }
0x159: {  	s30 =	simm.s32 $0x5080;
	v3 =	vadd.s32 v1, v3  }
0x15a: {  	[tilespmem:s30], [sflag:$0x1] =	stream.indirect_vreg.gather [hbm4b:s5+s1], $0x80, v4, vm0, $0xb8;
	[tilespmem:$0x10080] =	vst v63  }
0x15b: {  	s17 =	simm.s32 $0x5880  }
0x15c: {  	[tilespmem:s17], [sflag:$0x1] =	stream.indirect_vreg.gather [hbm4b:s6+s1], $0x80, v4, vm0, $0xb8;
	[tilespmem:$0x10080] =	vst v63  }
0x15d: {  	s0 =	simm.s32 $0x6080  }
0x15e: {  	[tilespmem:s0], [sflag:$0x1] =	stream.indirect_vreg.gather [hbm4b:s3+s1], $0x80, v3, vm0, $0xb8;
	[tilespmem:$0x10080] =	vst v63  }
0x15f: {  	s2 =	simm.s32 $0x6880  }
0x160: {  	[tilespmem:s2], [sflag:$0x1] =	stream.indirect_vreg.gather [hbm4b:s4+s1], $0x80, v3, vm0, $0xb8;
	[tilespmem:$0x10080] =	vst v63  }
0x161: {  	s9 =	simm.s32 $0x7080  }
0x162: {  	[tilespmem:s9], [sflag:$0x1] =	stream.indirect_vreg.gather [hbm4b:s5+s1], $0x80, v3, vm0, $0xb8;
	[tilespmem:$0x10080] =	vst v63  }
0x163: {  	s13 =	simm.s32 $0x7880  }
0x164: {  	[tilespmem:s13], [sflag:$0x1] =	stream.indirect_vreg.gather [hbm4b:s6+s1], $0x80, v3, vm0, $0xb8;
	[tilespmem:$0x10080] =	vst v63  }
0x165: {  	v3 =	vld [tilespmem:$0x20];
	_ =	sdelay $0x4  }
0x166: {  	v62 =	vshll.u32 v3, $0x3  }
0x167: {  	v3 =	vand.u32 $0x7, v3;
	v4 =	vand.u32 $0xFFFFFFC0, v62  }
0x168: {  	v3 =	vor.u32 v3, v4  }
0x169: {  	v4 =	vperm.xlane v3, v0;
	_ =	sdelay $0x1  }
0x16a: {  	v4 =	vadd.s32 v1, v4;
	_ =	sdelay $0x3  }
0x16b: {  	s14 =	simm.s32 $0x8080  }
0x16c: {  	[tilespmem:s14], [sflag:$0x1] =	stream.indirect_vreg.gather [hbm4b:s3+s1], $0x80, v4, vm0, $0xb8;
	[tilespmem:$0x10080] =	vst v63  }
0x16d: {  	s15 =	simm.s32 $0x8880;
	v3 =	vperm.xlane v3, v2  }
0x16e: {  	[tilespmem:s15], [sflag:$0x1] =	stream.indirect_vreg.gather [hbm4b:s4+s1], $0x80, v4, vm0, $0xb8;
	[tilespmem:$0x10080] =	vst v63  }
0x16f: {  	s10 =	simm.s32 $0x9080;
	v3 =	vadd.s32 v1, v3  }
0x170: {  	[tilespmem:s10], [sflag:$0x1] =	stream.indirect_vreg.gather [hbm4b:s5+s1], $0x80, v4, vm0, $0xb8;
	[tilespmem:$0x10080] =	vst v63  }
0x171: {  	s11 =	simm.s32 $0x9880  }
0x172: {  	[tilespmem:s11], [sflag:$0x1] =	stream.indirect_vreg.gather [hbm4b:s6+s1], $0x80, v4, vm0, $0xb8;
	[tilespmem:$0x10080] =	vst v63  }
0x173: {  	s12 =	simm.s32 $0xA080  }
0x174: {  	[tilespmem:s12], [sflag:$0x1] =	stream.indirect_vreg.gather [hbm4b:s3+s1], $0x80, v3, vm0, $0xb8;
	[tilespmem:$0x10080] =	vst v63  }
0x175: {  	s31 =	simm.s32 $0xA880  }
0x176: {  	[tilespmem:s31], [sflag:$0x1] =	stream.indirect_vreg.gather [hbm4b:s4+s1], $0x80, v3, vm0, $0xb8;
	[tilespmem:$0x10080] =	vst v63  }
0x177: {  	s19 =	simm.s32 $0xB080  }
0x178: {  	[tilespmem:s19], [sflag:$0x1] =	stream.indirect_vreg.gather [hbm4b:s5+s1], $0x80, v3, vm0, $0xb8;
	[tilespmem:$0x10080] =	vst v63  }
0x179: {  	s21 =	simm.s32 $0xB880  }
0x17a: {  	[tilespmem:s21], [sflag:$0x1] =	stream.indirect_vreg.gather [hbm4b:s6+s1], $0x80, v3, vm0, $0xb8;
	[tilespmem:$0x10080] =	vst v63  }
0x17b: {  	v3 =	vld [tilespmem:$0x30];
	_ =	sdelay $0x4  }
0x17c: {  	v63 =	vshll.u32 v3, $0x3  }
0x17d: {  	v3 =	vand.u32 $0x7, v3;
	v4 =	vand.u32 $0xFFFFFFC0, v63  }
0x17e: {  	v3 =	vor.u32 v3, v4  }
0x17f: {  	v4 =	vperm.xlane v3, v0;
	_ =	sdelay $0x1  }
0x180: {  	v4 =	vadd.s32 v1, v4;
	_ =	sdelay $0x3  }
0x181: {  	s29 =	simm.s32 $0xC080  }
0x182: {  	[tilespmem:s29], [sflag:$0x1] =	stream.indirect_vreg.gather [hbm4b:s3+s1], $0x80, v4, vm0, $0xb8;
	[tilespmem:$0x10080] =	vst v63  }
0x183: {  	s30 =	simm.s32 $0xC880;
	v3 =	vperm.xlane v3, v2  }
0x184: {  	[tilespmem:s30], [sflag:$0x1] =	stream.indirect_vreg.gather [hbm4b:s4+s1], $0x80, v4, vm0, $0xb8;
	[tilespmem:$0x10080] =	vst v63  }
0x185: {  	s28 =	simm.s32 $0xD080;
	v3 =	vadd.s32 v1, v3  }
0x186: {  	[tilespmem:s28], [sflag:$0x1] =	stream.indirect_vreg.gather [hbm4b:s5+s1], $0x80, v4, vm0, $0xb8;
	[tilespmem:$0x10080] =	vst v63  }
0x187: {  	s20 =	simm.s32 $0xD880  }
0x188: {  	[tilespmem:s20], [sflag:$0x1] =	stream.indirect_vreg.gather [hbm4b:s6+s1], $0x80, v4, vm0, $0xb8;
	[tilespmem:$0x10080] =	vst v63  }
0x189: {  	s24 =	simm.s32 $0xE080  }
0x18a: {  	[tilespmem:s24], [sflag:$0x1] =	stream.indirect_vreg.gather [hbm4b:s3+s1], $0x80, v3, vm0, $0xb8;
	[tilespmem:$0x10080] =	vst v63  }
0x18b: {  	s22 =	simm.s32 $0xE880  }
0x18c: {  	[tilespmem:s22], [sflag:$0x1] =	stream.indirect_vreg.gather [hbm4b:s4+s1], $0x80, v3, vm0, $0xb8;
	[tilespmem:$0x10080] =	vst v63  }
0x18d: {  	s25 =	simm.s32 $0xF080  }
0x18e: {  	[tilespmem:s25], [sflag:$0x1] =	stream.indirect_vreg.gather [hbm4b:s5+s1], $0x80, v3, vm0, $0xb8;
	[tilespmem:$0x10080] =	vst v63  }
0x18f: {  	s26 =	simm.s32 $0xF880  }
0x190: {  	[tilespmem:s26], [sflag:$0x1] =	stream.indirect_vreg.gather [hbm4b:s6+s1], $0x80, v3, vm0, $0xb8;
	[tilespmem:$0x10080] =	vst v63  }
0x191: {  	_ =	swait.ge [sflag:s18], $0x10000  }
0x192: {  	p0 =	sne.s32 s7, $0x1;
	[sflag:s18] =	ssyncset.done $0x0  }
.Ltmp0:
0x193: {  	s31 =	rddreg [dreg:$0x9];
	[sflag:s18] =	ssyncadd.s32 $0xFFFF0000;
	(pc) =	sbr.rel @p0 .LBB2_1-.Ltmp0, $4  }
0x194: {  	[hbm4b:s31+s1] =	stream.linear.scatter [tilespmem:s23], [sflag:$0x2], $0x10000, $0x38;
	[tilespmem:$0x10080] =	vst v63  }
0x195: {  	_ =	swait.ge [sflag:s8], $0x10000  }
0x196: {  	[sflag:s8] =	ssyncset.done $0x0  }
0x197: {  	s7 =	sadd.s32 $0xFFFFFFFF, s7;
	[sflag:s8] =	ssyncadd.s32 $0xFFFF0000  }
0x198: {  	_ =	sfence.sel $0x180000  }
0x199: {  	[bflag:$0x0] =	sbarrier.arrive $0xFFFF  }
0x19a: {  	_ =	strace $0x9000004A  }
0x19b: {  	s0 =	stileid.u32;
	[bflag:$0x2] =	sbarrier.arrive $0xFFFF  }
0x19c: {  	p0 =	sne.s32 s0, $0x0;
	s0 =	rddreg [dreg:$0x1]  }
0x19d: {  	s0 =	sadd.s32 @!p0 $0x100000, s0  }
0x19e: {  	[sflag:s0] =	ssyncadd.tile.s32 @!p0 $0x1;
	_ =	shalt  }
.Lfunc_end2:
_tile_overlayer_lowered:
.L_overlay_start_2:
0x19f: {  	(tag) =	ssettag $0x2  }
0x1a0: {  	s0 =	rddreg [dreg:$0x0];
	s2 =	stileid.u32  }
0x1a1: {  	s1 =	rddreg [dreg:$0x1];
	p0 =	sne.s32 s2, $0x0  }
0x1a2: {  	s3 =	rddreg [dreg:$0x2];
	[bflag:$0x3] =	sbarrier.arrive $0xFFFF;
	s2 =	simm.s32 @!p0 $0x1C02  }
0x1a3: {  	[timem:s3], [sflag:s2] =	dma.local @!p0 [hbm:s0], s1  }
0x1a4: {  	s0 =	simm.s32 @!p0 $0x2  }
0x1a5: {  	_ =	swait.ge @!p0 [sflag:s0], s1  }
0x1a6: {  	s1 =	ssub.s32 @!p0 $0x0, s1;
	[sflag:s0] =	ssyncset.done @!p0 $0x0  }
0x1a7: {  	[sflag:s0] =	ssyncadd.s32 @!p0 s1  }
0x1a8: {  	[bflag:$0x3] =	sbarrier.arrive $0xFFFF  }
0x1a9: {  	_ =	shalt  }

</sc_bundles>
